<compile_context>
chip_gen: v7x
topology: tpu7x:2x2x1
jax: 0.10.2.dev20260603
libtpu: 0.0.44.dev20260713+nightly
codegen_flags: <defaults>
</compile_context>

<pallas_src>
import functools

import jax
import jax.numpy as jnp
from jax.experimental import pallas as pl
from jax.experimental.pallas import tpu as pltpu
from jax.experimental.pallas import tpu_sc as plsc

N = 50000
NG = 512
H = 4
C = 64
K = 5
Q = 256
NB = 196
NP = NB * Q
CC = 512
NCH = NP // CC
W = 512
NBW = NP // W

_BIG = 1e10
_INF = float("inf")
_IBIG = 2**30


def _knn_kernel(blo_ref, bhi_ref, posq_ref, bcol_ref, pch_ref, br_ref,
                src_ref):
    b = pl.program_id(0)
    qs = b * Q
    lo = blo_ref[b]
    hi = bhi_ref[b]
    c0 = lo // CC
    c1 = (hi - 1) // CC + 1

    qp = posq_ref[...]
    qx = qp[:, 0:1]
    qy = qp[:, 1:2]
    qz = qp[:, 2:3]
    qx2 = qx * qx + qy * qy + qz * qz
    qb = bcol_ref[...]
    rowg = jax.lax.broadcasted_iota(jnp.int32, (Q, CC), 0) + qs
    coll = jax.lax.broadcasted_iota(jnp.int32, (Q, CC), 1)
    pos10 = jax.lax.broadcasted_iota(jnp.int32, (Q, 2 * K), 1)

    def body(c, carry):
        best_d, best_i = carry
        base = c * CC
        cp = pch_ref[pl.ds(c, 1)].reshape(8, CC)
        cb = br_ref[pl.ds(c, 1), :]
        cx = cp[0:1, :]
        cy = cp[1:2, :]
        cz = cp[2:3, :]
        cx2 = cx * cx + cy * cy + cz * cz
        dot = jnp.dot(qp, cp, preferred_element_type=jnp.float32)
        d = cx2 - 2.0 * dot + qx2
        gidx = coll + base
        d = jnp.where((qb != cb) | (rowg == gidx), _BIG, d)
        cds, cis = [], []
        for _ in range(K):
            m = jnp.min(d, axis=1, keepdims=True)
            am = jnp.min(jnp.where(d == m, gidx, _IBIG), axis=1, keepdims=True)
            cds.append(m)
            cis.append(am)
            d = jnp.where(gidx == am, _INF, d)
        cat_d = jnp.concatenate([best_d] + cds, axis=1)
        cat_i = jnp.concatenate([best_i] + cis, axis=1)
        nds, nis = [], []
        for _ in range(K):
            m = jnp.min(cat_d, axis=1, keepdims=True)
            ap = jnp.min(jnp.where(cat_d == m, pos10, _IBIG), axis=1,
                         keepdims=True)
            sel = pos10 == ap
            nds.append(m)
            nis.append(jnp.sum(jnp.where(sel, cat_i, 0), axis=1,
                               keepdims=True))
            cat_d = jnp.where(sel, _INF, cat_d)
        return (jnp.concatenate(nds, axis=1), jnp.concatenate(nis, axis=1))

    init = (jnp.full((Q, K), _INF, jnp.float32),
            jnp.zeros((Q, K), jnp.int32))
    _, best_i = jax.lax.fori_loop(c0, c1, body, init)
    src_ref[...] = best_i


def _embed_kernel(z_ref, emb_ref, out_ref, out_nm_ref):
    zr = z_ref[0]
    rows = jax.lax.broadcasted_iota(jnp.int32, (128, W), 0)
    oh = (zr == rows).astype(jnp.float32)
    xw = jnp.dot(emb_ref[...], oh,
                 preferred_element_type=jnp.float32)
    out_ref[0] = xw
    out_nm_ref[:, :C] = xw.T


EP = K * NP
SC_NC = 2
SC_NS = 16
SC_NW = SC_NC * SC_NS
BPW = EP // SC_NW
GCH = 280
GNC = BPW // GCH


def _sc_gather(x_nm, srcf):
    mesh = plsc.VectorSubcoreMesh(core_axis_name="c", subcore_axis_name="s")

    @functools.partial(
        pl.kernel, mesh=mesh,
        out_type=jax.ShapeDtypeStruct((EP, 128), jnp.float32),
        scratch_types=[
            pltpu.VMEM((GCH,), jnp.int32),
            pltpu.VMEM((GCH, 128), jnp.float32),
            pltpu.SemaphoreType.DMA,
        ],
    )
    def k(x_hbm, idx_hbm, out_hbm, idx_v, rows_v, sem):
        wid = jax.lax.axis_index("s") * SC_NC + jax.lax.axis_index("c")
        base0 = wid * BPW

        def body(j, carry):
            base = base0 + j * GCH
            pltpu.sync_copy(idx_hbm.at[pl.ds(base, GCH)], idx_v)
            pltpu.async_copy(x_hbm.at[idx_v], rows_v, sem).wait()
            pltpu.sync_copy(rows_v, out_hbm.at[pl.ds(base, GCH)])
            return carry

        jax.lax.fori_loop(0, GNC, body, 0)

    return k(x_nm, srcf)


def _gat_sc_kernel(xq_ref, xg_ref, WlT_ref, blT_ref, WrT_ref, brT_ref,
                   attB_ref, biasT_ref, out_ref, out_nm_ref):
    xq = xq_ref[0]
    xi = jnp.dot(WrT_ref[...], xq,
                 preferred_element_type=jnp.float32) + brT_ref[...]
    attB = attB_ref[...]
    xjs, alphas = [], []
    for k in range(K):
        xj_wc = xg_ref[k, 0][:, :C]
        xjk = jax.lax.dot_general(
            WlT_ref[...], xj_wc, (((1,), (1,)), ((), ())),
            preferred_element_type=jnp.float32) + blT_ref[...]
        e = xi + xjk
        e = jnp.where(e >= 0, e, 0.2 * e)
        alphas.append(jnp.dot(attB, e,
                              preferred_element_type=jnp.float32))
        xjs.append(xjk)

    acc = jnp.zeros((C, W), jnp.float32)
    for h in range(H):
        ah = [alphas[k][h:h + 1, :] for k in range(K)]
        amax = ah[0]
        for k in range(1, K):
            amax = jnp.maximum(amax, ah[k])
        ex = [jnp.exp(ah[k] - amax) for k in range(K)]
        den = ex[0]
        for k in range(1, K):
            den = den + ex[k]
        den = den + 1e-16
        for k in range(K):
            acc = acc + (ex[k] / den) * xjs[k][h * C:(h + 1) * C, :]

    xnew = acc * jnp.float32(1.0 / H) + biasT_ref[...]
    xnew = jnp.maximum(xnew, 0.0)
    out_ref[0] = xnew
    out_nm_ref[:, :C] = xnew.T


def _pool_kernel(x_ref, bq_ref, fcWT_ref, fcb_ref, gsum_ref, cnt_ref,
                 res_ref):
    b = pl.program_id(0)

    @pl.when(b == 0)
    def _():
        gsum_ref[...] = jnp.zeros_like(gsum_ref)
        cnt_ref[...] = jnp.zeros_like(cnt_ref)

    bq = bq_ref[...]
    gl = jax.lax.broadcasted_iota(jnp.int32, (W, NG), 1)
    oh = (bq == gl).astype(jnp.float32)
    gsum_ref[...] += jnp.dot(x_ref[0], oh,
                             preferred_element_type=jnp.float32)
    cnt_ref[...] += jnp.sum(oh, axis=0, keepdims=True)

    @pl.when(b == NBW - 1)
    def _():
        g = gsum_ref[...] / jnp.maximum(cnt_ref[...], 1.0)
        r = jnp.dot(fcWT_ref[...], g,
                    preferred_element_type=jnp.float32)
        res_ref[...] = r[0:1, :] + fcb_ref[...]


def kernel(z, pos, batch, emb, Wl0, bl0, Wr0, br0, att0, bias0,
           Wl1, bl1, Wr1, br1, att1, bias1,
           Wl2, bl2, Wr2, br2, att2, bias2, fc_W, fc_b):
    batch = batch.astype(jnp.int32)
    z = z.astype(jnp.int32)

    pad = NP - N
    posq = jnp.pad(pos, ((0, pad), (0, 5)))
    batp = jnp.pad(batch, (0, pad), constant_values=NG)
    bcol = batp[:, None]
    br3 = batp.reshape(NB, 1, Q)
    brch = batp.reshape(NCH, CC)
    pch = jnp.pad(pos, ((0, pad), (0, 5))).T.reshape(8, NCH, CC) \
        .transpose(1, 0, 2)
    zcol = jnp.pad(z, (0, pad))[:, None]

    ss = jnp.searchsorted(batch, jnp.arange(NG + 1)).astype(jnp.int32)
    firsts = jnp.minimum(jnp.arange(NB) * Q, N - 1)
    lasts = jnp.minimum(jnp.arange(NB) * Q + Q - 1, N - 1)
    blo = ss[batch[firsts]]
    bhi = ss[batch[lasts] + 1]

    knn_spec = pltpu.PrefetchScalarGridSpec(
        num_scalar_prefetch=2,
        grid=(NB,),
        in_specs=[
            pl.BlockSpec((Q, 8), lambda b, lo, hi: (b, 0)),
            pl.BlockSpec((Q, 1), lambda b, lo, hi: (b, 0)),
            pl.BlockSpec((NCH, 8, CC), lambda b, lo, hi: (0, 0, 0)),
            pl.BlockSpec((NCH, CC), lambda b, lo, hi: (0, 0)),
        ],
        out_specs=pl.BlockSpec((Q, K), lambda b, lo, hi: (b, 0)),
    )
    src = pl.pallas_call(
        _knn_kernel,
        grid_spec=knn_spec,
        out_shape=jax.ShapeDtypeStruct((NP, K), jnp.int32),
    )(blo, bhi, posq, bcol, pch, brch)

    srcT = src.T
    zrow = jnp.pad(z, (0, pad)).reshape(NBW, 1, W)

    embT = jnp.zeros((C, 128), jnp.float32).at[:, :100].set(emb.T)
    x, x_nm = pl.pallas_call(
        _embed_kernel,
        grid=(NBW,),
        in_specs=[
            pl.BlockSpec((1, 1, W), lambda b: (b, 0, 0)),
            pl.BlockSpec((C, 128), lambda b: (0, 0)),
        ],
        out_specs=[
            pl.BlockSpec((1, C, W), lambda b: (b, 0, 0)),
            pl.BlockSpec((W, 128), lambda b: (b, 0)),
        ],
        out_shape=[
            jax.ShapeDtypeStruct((NBW, C, W), jnp.float32),
            jax.ShapeDtypeStruct((NP, 128), jnp.float32),
        ],
    )(zrow, embT)

    gat_sc = pl.pallas_call(
        _gat_sc_kernel,
        grid=(NBW,),
        in_specs=[
            pl.BlockSpec((1, C, W), lambda b: (b, 0, 0)),
            pl.BlockSpec((K, 1, W, 128), lambda b: (0, b, 0, 0)),
            pl.BlockSpec((H * C, C), lambda b: (0, 0)),
            pl.BlockSpec((H * C, 1), lambda b: (0, 0)),
            pl.BlockSpec((H * C, C), lambda b: (0, 0)),
            pl.BlockSpec((H * C, 1), lambda b: (0, 0)),
            pl.BlockSpec((8, H * C), lambda b: (0, 0)),
            pl.BlockSpec((C, 1), lambda b: (0, 0)),
        ],
        out_specs=[
            pl.BlockSpec((1, C, W), lambda b: (b, 0, 0)),
            pl.BlockSpec((W, 128), lambda b: (b, 0)),
        ],
        out_shape=[
            jax.ShapeDtypeStruct((NBW, C, W), jnp.float32),
            jax.ShapeDtypeStruct((NP, 128), jnp.float32),
        ],
    )

    srcf = srcT.reshape(EP)
    eyeH = jnp.eye(H, dtype=jnp.float32)
    for (Wl, bl, Wr, br, att, bias) in (
            (Wl0, bl0, Wr0, br0, att0, bias0),
            (Wl1, bl1, Wr1, br1, att1, bias1),
            (Wl2, bl2, Wr2, br2, att2, bias2)):
        attB = (eyeH[:, :, None] * att[None, :, :]).reshape(H, H * C)
        attB = jnp.pad(attB, ((0, 4), (0, 0)))
        xg = _sc_gather(x_nm, srcf).reshape(K, NBW, W, 128)
        x, x_nm = gat_sc(x, xg, Wl.T, bl[:, None], Wr.T, br[:, None],
                         attB, bias[:, None])

    gsum, cnt, res = pl.pallas_call(
        _pool_kernel,
        grid=(NBW,),
        in_specs=[
            pl.BlockSpec((1, C, W), lambda b: (b, 0, 0)),
            pl.BlockSpec((W, 1), lambda b: (b, 0)),
            pl.BlockSpec((8, C), lambda b: (0, 0)),
            pl.BlockSpec((1, 1), lambda b: (0, 0)),
        ],
        out_specs=[
            pl.BlockSpec((C, NG), lambda b: (0, 0)),
            pl.BlockSpec((1, NG), lambda b: (0, 0)),
            pl.BlockSpec((1, NG), lambda b: (0, 0)),
        ],
        out_shape=[
            jax.ShapeDtypeStruct((C, NG), jnp.float32),
            jax.ShapeDtypeStruct((1, NG), jnp.float32),
            jax.ShapeDtypeStruct((1, NG), jnp.float32),
        ],
    )(x, bcol, jnp.pad(fc_W.T, ((0, 7), (0, 0))), fc_b[None, :])

    return res[0]

# --- scband reference (transcript-rebuilt; emitter-appended) ---
"""Pipeline reference for scband-gatv2-regressor-7138235646499 (READ-ONLY COPY).

The authoritative reference and input builder live on the scoring server;
editing this copy changes nothing except your own understanding.
"""

import jax, jax.numpy as jnp
import numpy as np

N = 50000
NUM_GRAPHS = 512
H = 4
C = 64
K = 5
CHUNK = 1000
NUM_LAYERS = 3

def setup_inputs(seed: int = 0):
    key = jax.random.key(seed)
    ks = jax.random.split(key, 16)
    inp = {}
    inp["z"] = jax.random.randint(ks[0], (N,), 0, 100)
    inp["pos"] = jax.random.uniform(ks[1], (N, 3), dtype=jnp.float32) * 20.0
    inp["batch"] = jnp.sort(jax.random.randint(ks[2], (N,), 0, NUM_GRAPHS))
    inp["emb"] = jax.random.normal(ks[3], (100, C), dtype=jnp.float32) * 0.1
    for l in range(NUM_LAYERS):
        k1, k2, k3 = jax.random.split(ks[4 + l], 3)
        inp["Wl%d" % l] = jax.random.normal(k1, (C, H * C), dtype=jnp.float32) * 0.05
        inp["bl%d" % l] = jnp.zeros((H * C,), jnp.float32)
        inp["Wr%d" % l] = jax.random.normal(k2, (C, H * C), dtype=jnp.float32) * 0.05
        inp["br%d" % l] = jnp.zeros((H * C,), jnp.float32)
        inp["att%d" % l] = jax.random.normal(k3, (H, C), dtype=jnp.float32) * 0.1
        inp["bias%d" % l] = jnp.zeros((C,), jnp.float32)
    inp["fc_W"] = jax.random.normal(ks[8], (C, 1), dtype=jnp.float32) * 0.1
    inp["fc_b"] = jnp.zeros((1,), jnp.float32)
    return inp

def knn_edge_index(pos, batch):
    pos = jax.lax.stop_gradient(pos)
    x2 = jnp.sum(pos * pos, axis=1)
    qidx = jnp.arange(N).reshape(-1, CHUNK)
    def body(qi):
        q = pos[qi]
        d = x2[None, :] - 2.0 * (q @ pos.T) + jnp.sum(q * q, axis=1)[:, None]
        d = jnp.where(batch[qi][:, None] != batch[None, :], 1e10, d)
        d = d.at[jnp.arange(CHUNK), qi].set(1e10)
        _, nbr = jax.lax.top_k(-d, K)
        return nbr
    nbrs = jax.lax.map(body, qidx).reshape(N, K)
    src = nbrs.reshape(-1)
    dst = jnp.repeat(jnp.arange(N), K)
    return src, dst

def gatv2_layer(x, src, dst, Wl, bl, Wr, br, att, bias):
    xl = (x @ Wl + bl).reshape(-1, H, C)
    xr = (x @ Wr + br).reshape(-1, H, C)
    xj = xl[src]
    xi = xr[dst]
    e = jax.nn.leaky_relu(xi + xj, 0.2)
    alpha = jnp.sum(e * att[None, :, :], axis=-1)
    amax = jax.lax.stop_gradient(jax.ops.segment_max(alpha, dst, num_segments=N))
    ex = jnp.exp(alpha - amax[dst])
    denom = jax.ops.segment_sum(ex, dst, num_segments=N)
    a = ex / (denom[dst] + 1e-16)
    out = jax.ops.segment_sum(xj * a[:, :, None], dst, num_segments=N)
    return out.mean(axis=1) + bias

def _forward(z, pos, batch, emb, params, fc_W, fc_b):
    src, dst = knn_edge_index(pos, batch)
    x = emb[z]
    for (Wl, bl, Wr, br, att, bias) in params:
        x = gatv2_layer(x, src, dst, Wl, bl, Wr, br, att, bias)
        x = jax.nn.relu(x)
    ones = jnp.ones((N,), jnp.float32)
    cnt = jax.ops.segment_sum(ones, batch, num_segments=NUM_GRAPHS)
    g = jax.ops.segment_sum(x, batch, num_segments=NUM_GRAPHS) / jnp.maximum(cnt, 1.0)[:, None]
    return (g @ fc_W + fc_b).squeeze(-1)

def reference(z, pos, batch, emb, Wl0, bl0, Wr0, br0, att0, bias0,
              Wl1, bl1, Wr1, br1, att1, bias1,
              Wl2, bl2, Wr2, br2, att2, bias2, fc_W, fc_b):
    params = [(Wl0, bl0, Wr0, br0, att0, bias0),
              (Wl1, bl1, Wr1, br1, att1, bias1),
              (Wl2, bl2, Wr2, br2, att2, bias2)]
    return _forward(z, pos, batch, emb, params, fc_W, fc_b)

if __name__ == "__main__":
    import jax
    _d = setup_inputs()
    print(jax.jit(kernel)(*tuple(_d.values())))

</pallas_src>

<mosaic_0001>
#map = affine_map<(d0, d1) -> (0, 0)>
#map1 = affine_map<(d0, d1) -> (0)>
module attributes {stable_mosaic.version = 14 : i64} {
  func.func @k(%arg0: i32, %arg1: i32, %arg2: memref<50176x128xf32, #tpu.memory_space<hbm>>, %arg3: memref<250880xi32, #tpu.memory_space<hbm>>, %arg4: memref<250880x128xf32, #tpu.memory_space<hbm>>, %arg5: memref<280xi32, #tpu.memory_space<vmem>>, %arg6: memref<280x128xf32, #tpu.memory_space<vmem>>, %arg7: memref<!tpu.dma_semaphore, #tpu.memory_space<semaphore_mem>>) attributes {dimension_semantics = [#tpu.dimension_semantics<core_parallel>, #tpu.dimension_semantics<subcore_parallel>], iteration_bounds = array<i64: 2, 16>, scalar_prefetch = 0 : i64, scratch_operands = 3 : i64, tpu.core_type = #tpu.core_type<sc_vector_subcore>, window_params = [{transform_indices = #map}, {transform_indices = #map1}, {transform_indices = #map}]} {
    %mul3A = arith.constant 2 : i32
    %mul3A_0 = arith.muli %arg1, %mul3A : i32
    %add3A = arith.addi %mul3A_0, %arg0 : i32
    %mul3A_1 = arith.constant 7840 : i32
    %mul3A_2 = arith.muli %add3A, %mul3A_1 : i32
    %scan3A = arith.constant 0 : i32
    %scan3A_3 = arith.constant 0 : i32
    %scan3A_4 = arith.constant 28 : i32
    %scan3A_5 = arith.addi %scan3A_3, %scan3A_4 : i32
    %scan3A_6 = arith.constant 1 : i32
    scf.for %scan3A_8 = %scan3A_3 to %scan3A_5 step %scan3A_6  : i32 {
      %mul3A_9 = arith.constant 280 : i32
      %mul3A_10 = arith.muli %scan3A_8, %mul3A_9 : i32
      %add3A_11 = arith.addi %mul3A_2, %mul3A_10 : i32
      "tpu.region"() ({
        %run_scoped3A = tpu.sem_alloc : memref<!tpu.dma_semaphore, #tpu.memory_space<semaphore_mem>>
        %dma_start3A_16 = tpu.memref_slice %arg3[%add3A_11] : memref<250880xi32, #tpu.memory_space<hbm>> -> memref<280xi32, #tpu.memory_space<hbm>>
        %dma_start3A_17 = tpu.memref_slice %arg3[%add3A_11] : memref<250880xi32, #tpu.memory_space<hbm>> -> memref<280xi32, #tpu.memory_space<hbm>>
        tpu.enqueue_dma source(%dma_start3A_17 : memref<280xi32, #tpu.memory_space<hbm>>) target(%arg5 : memref<280xi32, #tpu.memory_space<vmem>>) target_semaphore(%run_scoped3A : memref<!tpu.dma_semaphore, #tpu.memory_space<semaphore_mem>>)
        %dma_wait3A_18 = tpu.memref_slice %arg3[%add3A_11] : memref<250880xi32, #tpu.memory_space<hbm>> -> memref<280xi32, #tpu.memory_space<hbm>>
        %dma_wait3A_19 = tpu.memref_slice %arg3[%add3A_11] : memref<250880xi32, #tpu.memory_space<hbm>> -> memref<280xi32, #tpu.memory_space<hbm>>
        tpu.wait_dma2 semaphore(%run_scoped3A : memref<!tpu.dma_semaphore, #tpu.memory_space<semaphore_mem>>) src(%dma_wait3A_19 : memref<280xi32, #tpu.memory_space<hbm>>) dst(%arg5 : memref<280xi32, #tpu.memory_space<vmem>>)
        tpu.yield
      }) : () -> ()
      %dma_start3A = arith.constant 0 : i32
      %dma_start3A_12 = arith.constant 0 : i32
      %dma_start3A_13 = tpu.memref_slice %arg2[%dma_start3A, %dma_start3A_12] : memref<50176x128xf32, #tpu.memory_space<hbm>> -> memref<50176x128xf32, #tpu.memory_space<hbm>>
      tpu.enqueue_indirect_dma source(%dma_start3A_13 : memref<50176x128xf32, #tpu.memory_space<hbm>>) target(%arg6 : memref<280x128xf32, #tpu.memory_space<vmem>>) offsets(%arg5 : memref<280xi32, #tpu.memory_space<vmem>>) semaphore(%arg7 : memref<!tpu.dma_semaphore, #tpu.memory_space<semaphore_mem>>)
      %dma_wait3A = arith.constant 0 : i32
      %dma_wait3A_14 = arith.constant 0 : i32
      %dma_wait3A_15 = tpu.memref_slice %arg2[%dma_wait3A, %dma_wait3A_14] : memref<50176x128xf32, #tpu.memory_space<hbm>> -> memref<50176x128xf32, #tpu.memory_space<hbm>>
      tpu.wait_indirect_dma semaphore(%arg7 : memref<!tpu.dma_semaphore, #tpu.memory_space<semaphore_mem>>) src(%dma_wait3A_15 : memref<50176x128xf32, #tpu.memory_space<hbm>>) dst(%arg6 : memref<280x128xf32, #tpu.memory_space<vmem>>)
      "tpu.region"() ({
        %run_scoped3A = tpu.sem_alloc : memref<!tpu.dma_semaphore, #tpu.memory_space<semaphore_mem>>
        %dma_start3A_16 = arith.constant 0 : i32
        %dma_start3A_17 = tpu.memref_slice %arg4[%add3A_11, %dma_start3A_16] : memref<250880x128xf32, #tpu.memory_space<hbm>> -> memref<280x128xf32, #tpu.memory_space<hbm>>
        %dma_start3A_18 = arith.constant 0 : i32
        %dma_start3A_19 = tpu.memref_slice %arg4[%add3A_11, %dma_start3A_18] : memref<250880x128xf32, #tpu.memory_space<hbm>> -> memref<280x128xf32, #tpu.memory_space<hbm>>
        tpu.enqueue_dma source(%arg6 : memref<280x128xf32, #tpu.memory_space<vmem>>) target(%dma_start3A_19 : memref<280x128xf32, #tpu.memory_space<hbm>>) target_semaphore(%run_scoped3A : memref<!tpu.dma_semaphore, #tpu.memory_space<semaphore_mem>>)
        %dma_wait3A_20 = arith.constant 0 : i32
        %dma_wait3A_21 = tpu.memref_slice %arg4[%add3A_11, %dma_wait3A_20] : memref<250880x128xf32, #tpu.memory_space<hbm>> -> memref<280x128xf32, #tpu.memory_space<hbm>>
        %dma_wait3A_22 = arith.constant 0 : i32
        %dma_wait3A_23 = tpu.memref_slice %arg4[%add3A_11, %dma_wait3A_22] : memref<250880x128xf32, #tpu.memory_space<hbm>> -> memref<280x128xf32, #tpu.memory_space<hbm>>
        tpu.wait_dma2 semaphore(%run_scoped3A : memref<!tpu.dma_semaphore, #tpu.memory_space<semaphore_mem>>) src(%arg6 : memref<280x128xf32, #tpu.memory_space<vmem>>) dst(%dma_wait3A_23 : memref<280x128xf32, #tpu.memory_space<hbm>>)
        tpu.yield
      }) : () -> ()
    }
    %scan3A_7 = arith.constant 28 : i32
    return
  }
}

#map = affine_map<(d0, d1) -> (0, 0)>
#map1 = affine_map<(d0, d1) -> (0)>
module attributes {stable_mosaic.version = 14 : i64} {
  func.func @k(%arg0: i32, %arg1: i32, %arg2: memref<50176x128xf32, #tpu.memory_space<hbm>>, %arg3: memref<250880xi32, #tpu.memory_space<hbm>>, %arg4: memref<250880x128xf32, #tpu.memory_space<hbm>>, %arg5: memref<280xi32, #tpu.memory_space<vmem>>, %arg6: memref<280x128xf32, #tpu.memory_space<vmem>>, %arg7: memref<!tpu.dma_semaphore, #tpu.memory_space<semaphore_mem>>) attributes {dimension_semantics = [#tpu.dimension_semantics<core_parallel>, #tpu.dimension_semantics<subcore_parallel>], iteration_bounds = array<i64: 2, 16>, scalar_prefetch = 0 : i64, scratch_operands = 3 : i64, tpu.core_type = #tpu.core_type<sc_vector_subcore>, window_params = [{transform_indices = #map}, {transform_indices = #map1}, {transform_indices = #map}]} {
    %mul3A = arith.constant 2 : i32
    %mul3A_0 = arith.muli %arg1, %mul3A : i32
    %add3A = arith.addi %mul3A_0, %arg0 : i32
    %mul3A_1 = arith.constant 7840 : i32
    %mul3A_2 = arith.muli %add3A, %mul3A_1 : i32
    %scan3A = arith.constant 0 : i32
    %scan3A_3 = arith.constant 0 : i32
    %scan3A_4 = arith.constant 28 : i32
    %scan3A_5 = arith.addi %scan3A_3, %scan3A_4 : i32
    %scan3A_6 = arith.constant 1 : i32
    scf.for %scan3A_8 = %scan3A_3 to %scan3A_5 step %scan3A_6  : i32 {
      %mul3A_9 = arith.constant 280 : i32
      %mul3A_10 = arith.muli %scan3A_8, %mul3A_9 : i32
      %add3A_11 = arith.addi %mul3A_2, %mul3A_10 : i32
      "tpu.region"() ({
        %run_scoped3A = tpu.sem_alloc : memref<!tpu.dma_semaphore, #tpu.memory_space<semaphore_mem>>
        %dma_start3A_16 = tpu.memref_slice %arg3[%add3A_11] : memref<250880xi32, #tpu.memory_space<hbm>> -> memref<280xi32, #tpu.memory_space<hbm>>
        %dma_start3A_17 = tpu.memref_slice %arg3[%add3A_11] : memref<250880xi32, #tpu.memory_space<hbm>> -> memref<280xi32, #tpu.memory_space<hbm>>
        tpu.enqueue_dma source(%dma_start3A_17 : memref<280xi32, #tpu.memory_space<hbm>>) target(%arg5 : memref<280xi32, #tpu.memory_space<vmem>>) target_semaphore(%run_scoped3A : memref<!tpu.dma_semaphore, #tpu.memory_space<semaphore_mem>>)
        %dma_wait3A_18 = tpu.memref_slice %arg3[%add3A_11] : memref<250880xi32, #tpu.memory_space<hbm>> -> memref<280xi32, #tpu.memory_space<hbm>>
        %dma_wait3A_19 = tpu.memref_slice %arg3[%add3A_11] : memref<250880xi32, #tpu.memory_space<hbm>> -> memref<280xi32, #tpu.memory_space<hbm>>
        tpu.wait_dma2 semaphore(%run_scoped3A : memref<!tpu.dma_semaphore, #tpu.memory_space<semaphore_mem>>) src(%dma_wait3A_19 : memref<280xi32, #tpu.memory_space<hbm>>) dst(%arg5 : memref<280xi32, #tpu.memory_space<vmem>>)
        tpu.yield
      }) : () -> ()
      %dma_start3A = arith.constant 0 : i32
      %dma_start3A_12 = arith.constant 0 : i32
      %dma_start3A_13 = tpu.memref_slice %arg2[%dma_start3A, %dma_start3A_12] : memref<50176x128xf32, #tpu.memory_space<hbm>> -> memref<50176x128xf32, #tpu.memory_space<hbm>>
      tpu.enqueue_indirect_dma source(%dma_start3A_13 : memref<50176x128xf32, #tpu.memory_space<hbm>>) target(%arg6 : memref<280x128xf32, #tpu.memory_space<vmem>>) offsets(%arg5 : memref<280xi32, #tpu.memory_space<vmem>>) semaphore(%arg7 : memref<!tpu.dma_semaphore, #tpu.memory_space<semaphore_mem>>)
      %dma_wait3A = arith.constant 0 : i32
      %dma_wait3A_14 = arith.constant 0 : i32
      %dma_wait3A_15 = tpu.memref_slice %arg2[%dma_wait3A, %dma_wait3A_14] : memref<50176x128xf32, #tpu.memory_space<hbm>> -> memref<50176x128xf32, #tpu.memory_space<hbm>>
      tpu.wait_indirect_dma semaphore(%arg7 : memref<!tpu.dma_semaphore, #tpu.memory_space<semaphore_mem>>) src(%dma_wait3A_15 : memref<50176x128xf32, #tpu.memory_space<hbm>>) dst(%arg6 : memref<280x128xf32, #tpu.memory_space<vmem>>)
      "tpu.region"() ({
        %run_scoped3A = tpu.sem_alloc : memref<!tpu.dma_semaphore, #tpu.memory_space<semaphore_mem>>
        %dma_start3A_16 = arith.constant 0 : i32
        %dma_start3A_17 = tpu.memref_slice %arg4[%add3A_11, %dma_start3A_16] : memref<250880x128xf32, #tpu.memory_space<hbm>> -> memref<280x128xf32, #tpu.memory_space<hbm>>
        %dma_start3A_18 = arith.constant 0 : i32
        %dma_start3A_19 = tpu.memref_slice %arg4[%add3A_11, %dma_start3A_18] : memref<250880x128xf32, #tpu.memory_space<hbm>> -> memref<280x128xf32, #tpu.memory_space<hbm>>
        tpu.enqueue_dma source(%arg6 : memref<280x128xf32, #tpu.memory_space<vmem>>) target(%dma_start3A_19 : memref<280x128xf32, #tpu.memory_space<hbm>>) target_semaphore(%run_scoped3A : memref<!tpu.dma_semaphore, #tpu.memory_space<semaphore_mem>>)
        %dma_wait3A_20 = arith.constant 0 : i32
        %dma_wait3A_21 = tpu.memref_slice %arg4[%add3A_11, %dma_wait3A_20] : memref<250880x128xf32, #tpu.memory_space<hbm>> -> memref<280x128xf32, #tpu.memory_space<hbm>>
        %dma_wait3A_22 = arith.constant 0 : i32
        %dma_wait3A_23 = tpu.memref_slice %arg4[%add3A_11, %dma_wait3A_22] : memref<250880x128xf32, #tpu.memory_space<hbm>> -> memref<280x128xf32, #tpu.memory_space<hbm>>
        tpu.wait_dma2 semaphore(%run_scoped3A : memref<!tpu.dma_semaphore, #tpu.memory_space<semaphore_mem>>) src(%arg6 : memref<280x128xf32, #tpu.memory_space<vmem>>) dst(%dma_wait3A_23 : memref<280x128xf32, #tpu.memory_space<hbm>>)
        tpu.yield
      }) : () -> ()
    }
    %scan3A_7 = arith.constant 28 : i32
    return
  }
}

#map = affine_map<(d0, d1) -> (0, 0)>
#map1 = affine_map<(d0, d1) -> (0)>
module attributes {stable_mosaic.version = 14 : i64} {
  func.func @k(%arg0: i32, %arg1: i32, %arg2: memref<50176x128xf32, #tpu.memory_space<hbm>>, %arg3: memref<250880xi32, #tpu.memory_space<hbm>>, %arg4: memref<250880x128xf32, #tpu.memory_space<hbm>>, %arg5: memref<280xi32, #tpu.memory_space<vmem>>, %arg6: memref<280x128xf32, #tpu.memory_space<vmem>>, %arg7: memref<!tpu.dma_semaphore, #tpu.memory_space<semaphore_mem>>) attributes {dimension_semantics = [#tpu.dimension_semantics<core_parallel>, #tpu.dimension_semantics<subcore_parallel>], iteration_bounds = array<i64: 2, 16>, scalar_prefetch = 0 : i64, scratch_operands = 3 : i64, tpu.core_type = #tpu.core_type<sc_vector_subcore>, window_params = [{transform_indices = #map}, {transform_indices = #map1}, {transform_indices = #map}]} {
    %mul3A = arith.constant 2 : i32
    %mul3A_0 = arith.muli %arg1, %mul3A : i32
    %add3A = arith.addi %mul3A_0, %arg0 : i32
    %mul3A_1 = arith.constant 7840 : i32
    %mul3A_2 = arith.muli %add3A, %mul3A_1 : i32
    %scan3A = arith.constant 0 : i32
    %scan3A_3 = arith.constant 0 : i32
    %scan3A_4 = arith.constant 28 : i32
    %scan3A_5 = arith.addi %scan3A_3, %scan3A_4 : i32
    %scan3A_6 = arith.constant 1 : i32
    scf.for %scan3A_8 = %scan3A_3 to %scan3A_5 step %scan3A_6  : i32 {
      %mul3A_9 = arith.constant 280 : i32
      %mul3A_10 = arith.muli %scan3A_8, %mul3A_9 : i32
      %add3A_11 = arith.addi %mul3A_2, %mul3A_10 : i32
      "tpu.region"() ({
        %run_scoped3A = tpu.sem_alloc : memref<!tpu.dma_semaphore, #tpu.memory_space<semaphore_mem>>
        %dma_start3A_16 = tpu.memref_slice %arg3[%add3A_11] : memref<250880xi32, #tpu.memory_space<hbm>> -> memref<280xi32, #tpu.memory_space<hbm>>
        %dma_start3A_17 = tpu.memref_slice %arg3[%add3A_11] : memref<250880xi32, #tpu.memory_space<hbm>> -> memref<280xi32, #tpu.memory_space<hbm>>
        tpu.enqueue_dma source(%dma_start3A_17 : memref<280xi32, #tpu.memory_space<hbm>>) target(%arg5 : memref<280xi32, #tpu.memory_space<vmem>>) target_semaphore(%run_scoped3A : memref<!tpu.dma_semaphore, #tpu.memory_space<semaphore_mem>>)
        %dma_wait3A_18 = tpu.memref_slice %arg3[%add3A_11] : memref<250880xi32, #tpu.memory_space<hbm>> -> memref<280xi32, #tpu.memory_space<hbm>>
        %dma_wait3A_19 = tpu.memref_slice %arg3[%add3A_11] : memref<250880xi32, #tpu.memory_space<hbm>> -> memref<280xi32, #tpu.memory_space<hbm>>
        tpu.wait_dma2 semaphore(%run_scoped3A : memref<!tpu.dma_semaphore, #tpu.memory_space<semaphore_mem>>) src(%dma_wait3A_19 : memref<280xi32, #tpu.memory_space<hbm>>) dst(%arg5 : memref<280xi32, #tpu.memory_space<vmem>>)
        tpu.yield
      }) : () -> ()
      %dma_start3A = arith.constant 0 : i32
      %dma_start3A_12 = arith.constant 0 : i32
      %dma_start3A_13 = tpu.memref_slice %arg2[%dma_start3A, %dma_start3A_12] : memref<50176x128xf32, #tpu.memory_space<hbm>> -> memref<50176x128xf32, #tpu.memory_space<hbm>>
      tpu.enqueue_indirect_dma source(%dma_start3A_13 : memref<50176x128xf32, #tpu.memory_space<hbm>>) target(%arg6 : memref<280x128xf32, #tpu.memory_space<vmem>>) offsets(%arg5 : memref<280xi32, #tpu.memory_space<vmem>>) semaphore(%arg7 : memref<!tpu.dma_semaphore, #tpu.memory_space<semaphore_mem>>)
      %dma_wait3A = arith.constant 0 : i32
      %dma_wait3A_14 = arith.constant 0 : i32
      %dma_wait3A_15 = tpu.memref_slice %arg2[%dma_wait3A, %dma_wait3A_14] : memref<50176x128xf32, #tpu.memory_space<hbm>> -> memref<50176x128xf32, #tpu.memory_space<hbm>>
      tpu.wait_indirect_dma semaphore(%arg7 : memref<!tpu.dma_semaphore, #tpu.memory_space<semaphore_mem>>) src(%dma_wait3A_15 : memref<50176x128xf32, #tpu.memory_space<hbm>>) dst(%arg6 : memref<280x128xf32, #tpu.memory_space<vmem>>)
      "tpu.region"() ({
        %run_scoped3A = tpu.sem_alloc : memref<!tpu.dma_semaphore, #tpu.memory_space<semaphore_mem>>
        %dma_start3A_16 = arith.constant 0 : i32
        %dma_start3A_17 = tpu.memref_slice %arg4[%add3A_11, %dma_start3A_16] : memref<250880x128xf32, #tpu.memory_space<hbm>> -> memref<280x128xf32, #tpu.memory_space<hbm>>
        %dma_start3A_18 = arith.constant 0 : i32
        %dma_start3A_19 = tpu.memref_slice %arg4[%add3A_11, %dma_start3A_18] : memref<250880x128xf32, #tpu.memory_space<hbm>> -> memref<280x128xf32, #tpu.memory_space<hbm>>
        tpu.enqueue_dma source(%arg6 : memref<280x128xf32, #tpu.memory_space<vmem>>) target(%dma_start3A_19 : memref<280x128xf32, #tpu.memory_space<hbm>>) target_semaphore(%run_scoped3A : memref<!tpu.dma_semaphore, #tpu.memory_space<semaphore_mem>>)
        %dma_wait3A_20 = arith.constant 0 : i32
        %dma_wait3A_21 = tpu.memref_slice %arg4[%add3A_11, %dma_wait3A_20] : memref<250880x128xf32, #tpu.memory_space<hbm>> -> memref<280x128xf32, #tpu.memory_space<hbm>>
        %dma_wait3A_22 = arith.constant 0 : i32
        %dma_wait3A_23 = tpu.memref_slice %arg4[%add3A_11, %dma_wait3A_22] : memref<250880x128xf32, #tpu.memory_space<hbm>> -> memref<280x128xf32, #tpu.memory_space<hbm>>
        tpu.wait_dma2 semaphore(%run_scoped3A : memref<!tpu.dma_semaphore, #tpu.memory_space<semaphore_mem>>) src(%arg6 : memref<280x128xf32, #tpu.memory_space<vmem>>) dst(%dma_wait3A_23 : memref<280x128xf32, #tpu.memory_space<hbm>>)
        tpu.yield
      }) : () -> ()
    }
    %scan3A_7 = arith.constant 28 : i32
    return
  }
}

module attributes {stable_mosaic.version = 14 : i64} {
  func.func @_knn_kernel(%arg0: i32, %arg1: memref<196xi32, #tpu.memory_space<smem>>, %arg2: memref<196xi32, #tpu.memory_space<smem>>, %arg3: memref<256x8xf32, #tpu.memory_space<vmem>>, %arg4: memref<256x1xi32, #tpu.memory_space<vmem>>, %arg5: memref<98x8x512xf32, #tpu.memory_space<vmem>>, %arg6: memref<98x512xi32, #tpu.memory_space<vmem>>, %arg7: memref<256x5xi32, #tpu.memory_space<vmem>>) attributes {dimension_semantics = [#tpu.dimension_semantics<arbitrary>], iteration_bounds = array<i64: 196>, scalar_prefetch = 2 : i64, scratch_operands = 0 : i64, tpu.core_type = #tpu.core_type<tc>, window_params = [{transform_indices = @transform_0, window_bounds = array<i64: 256, 8>}, {transform_indices = @transform_1, window_bounds = array<i64: 256, 1>}, {pipeline_mode = #tpu.pipeline_mode<synchronous>, transform_indices = @transform_2, window_bounds = array<i64: 98, 8, 512>}, {pipeline_mode = #tpu.pipeline_mode<synchronous>, transform_indices = @transform_3, window_bounds = array<i64: 98, 512>}, {transform_indices = @transform_4, window_bounds = array<i64: 256, 5>}]} {
    %mul3A = arith.constant 256 : i32
    %mul3A_0 = arith.muli %arg0, %mul3A : i32
    %get3A = arith.index_cast %arg0 : i32 to index
    %get3A_1 = memref.load %arg1[%get3A] : memref<196xi32, #tpu.memory_space<smem>>
    %get3A_2 = arith.index_cast %arg0 : i32 to index
    %get3A_3 = memref.load %arg2[%get3A_2] : memref<196xi32, #tpu.memory_space<smem>>
    %jit3A = arith.constant 512 : i32
    %div3A = arith.divsi %get3A_1, %jit3A : i32
    %sign3A = arith.constant 0 : i32
    %sign3A_4 = arith.cmpi sgt, %get3A_1, %sign3A : i32
    %sign3A_5 = arith.extui %sign3A_4 : i1 to i32
    %sign3A_6 = arith.constant 0 : i32
    %sign3A_7 = arith.cmpi slt, %get3A_1, %sign3A_6 : i32
    %sign3A_8 = arith.extui %sign3A_7 : i1 to i32
    %sign3A_9 = arith.subi %sign3A_5, %sign3A_8 : i32
    %sign3A_10 = arith.constant 0 : i32
    %sign3A_11 = arith.cmpi sgt, %jit3A, %sign3A_10 : i32
    %sign3A_12 = arith.extui %sign3A_11 : i1 to i32
    %sign3A_13 = arith.constant 0 : i32
    %sign3A_14 = arith.cmpi slt, %jit3A, %sign3A_13 : i32
    %sign3A_15 = arith.extui %sign3A_14 : i1 to i32
    %sign3A_16 = arith.subi %sign3A_12, %sign3A_15 : i32
    %ne3A = arith.cmpi ne, %sign3A_9, %sign3A_16 : i32
    %rem3A = arith.remsi %get3A_1, %jit3A : i32
    %ne3A_17 = arith.constant 0 : i32
    %ne3A_18 = arith.cmpi ne, %rem3A, %ne3A_17 : i32
    %and3A = arith.andi %ne3A, %ne3A_18 : i1
    %sub3A = arith.constant 1 : i32
    %sub3A_19 = arith.subi %div3A, %sub3A : i32
    %select_n3A = arith.select %and3A, %sub3A_19, %div3A : i32
    %sub3A_20 = arith.constant 1 : i32
    %sub3A_21 = arith.subi %get3A_3, %sub3A_20 : i32
    %jit3A_22 = arith.constant 512 : i32
    %div3A_23 = arith.divsi %sub3A_21, %jit3A_22 : i32
    %sign3A_24 = arith.constant 0 : i32
    %sign3A_25 = arith.cmpi sgt, %sub3A_21, %sign3A_24 : i32
    %sign3A_26 = arith.extui %sign3A_25 : i1 to i32
    %sign3A_27 = arith.constant 0 : i32
    %sign3A_28 = arith.cmpi slt, %sub3A_21, %sign3A_27 : i32
    %sign3A_29 = arith.extui %sign3A_28 : i1 to i32
    %sign3A_30 = arith.subi %sign3A_26, %sign3A_29 : i32
    %sign3A_31 = arith.constant 0 : i32
    %sign3A_32 = arith.cmpi sgt, %jit3A_22, %sign3A_31 : i32
    %sign3A_33 = arith.extui %sign3A_32 : i1 to i32
    %sign3A_34 = arith.constant 0 : i32
    %sign3A_35 = arith.cmpi slt, %jit3A_22, %sign3A_34 : i32
    %sign3A_36 = arith.extui %sign3A_35 : i1 to i32
    %sign3A_37 = arith.subi %sign3A_33, %sign3A_36 : i32
    %ne3A_38 = arith.cmpi ne, %sign3A_30, %sign3A_37 : i32
    %rem3A_39 = arith.remsi %sub3A_21, %jit3A_22 : i32
    %ne3A_40 = arith.constant 0 : i32
    %ne3A_41 = arith.cmpi ne, %rem3A_39, %ne3A_40 : i32
    %and3A_42 = arith.andi %ne3A_38, %ne3A_41 : i1
    %sub3A_43 = arith.constant 1 : i32
    %sub3A_44 = arith.subi %div3A_23, %sub3A_43 : i32
    %select_n3A_45 = arith.select %and3A_42, %sub3A_44, %div3A_23 : i32
    %add3A = arith.constant 1 : i32
    %add3A_46 = arith.addi %select_n3A_45, %add3A : i32
    %get3A_47 = arith.constant 0 : index
    %get3A_48 = arith.constant 0 : index
    %get3A_49 = vector.load %arg3[%get3A_47, %get3A_48] : memref<256x8xf32, #tpu.memory_space<vmem>>, vector<256x8xf32>
    %slice3A = vector.extract_strided_slice %get3A_49 {offsets = [0, 0], sizes = [256, 1], strides = [1, 1]} : vector<256x8xf32> to vector<256x1xf32>
    %slice3A_50 = vector.extract_strided_slice %get3A_49 {offsets = [0, 1], sizes = [256, 1], strides = [1, 1]} : vector<256x8xf32> to vector<256x1xf32>
    %slice3A_51 = vector.extract_strided_slice %get3A_49 {offsets = [0, 2], sizes = [256, 1], strides = [1, 1]} : vector<256x8xf32> to vector<256x1xf32>
    %mul3A_52 = arith.mulf %slice3A, %slice3A : vector<256x1xf32>
    %mul3A_53 = arith.mulf %slice3A_50, %slice3A_50 : vector<256x1xf32>
    %add3A_54 = arith.addf %mul3A_52, %mul3A_53 : vector<256x1xf32>
    %mul3A_55 = arith.mulf %slice3A_51, %slice3A_51 : vector<256x1xf32>
    %add3A_56 = arith.addf %add3A_54, %mul3A_55 : vector<256x1xf32>
    %get3A_57 = arith.constant 0 : index
    %get3A_58 = arith.constant 0 : index
    %get3A_59 = vector.load %arg4[%get3A_57, %get3A_58] : memref<256x1xi32, #tpu.memory_space<vmem>>, vector<256x1xi32>
    %iota3A = tpu.iota {dimensions = array<i32: 0>} : vector<256x512xi32>
    %add3A_60 = vector.broadcast %mul3A_0 : i32 to vector<256x512xi32>
    %add3A_61 = arith.addi %iota3A, %add3A_60 : vector<256x512xi32>
    %iota3A_62 = tpu.iota {dimensions = array<i32: 1>} : vector<256x512xi32>
    %iota3A_63 = tpu.iota {dimensions = array<i32: 1>} : vector<256x10xi32>
    %broadcast_in_dim3A = arith.constant 0x7F800000 : f32
    %broadcast_in_dim3A_64 = vector.broadcast %broadcast_in_dim3A : f32 to vector<256x5xf32>
    %broadcast_in_dim3A_65 = arith.constant 0 : i32
    %broadcast_in_dim3A_66 = vector.broadcast %broadcast_in_dim3A_65 : i32 to vector<256x5xi32>
    %while3A = arith.subi %add3A_46, %select_n3A : i32
    %while3A_67 = arith.addi %select_n3A, %while3A : i32
    %while3A_68 = arith.constant 1 : i32
    %while3A_69 = arith.divsi %while3A, %while3A_68 : i32
    %while3A_70 = arith.muli %while3A_69, %while3A_68 : i32
    %while3A_71 = arith.addi %select_n3A, %while3A_70 : i32
    %while3A_72 = arith.constant 1 : i32
    %while3A_73:2 = scf.for %while3A_78 = %select_n3A to %while3A_71 step %while3A_72 iter_args(%while3A_79 = %broadcast_in_dim3A_64, %while3A_80 = %broadcast_in_dim3A_66) -> (vector<256x5xf32>, vector<256x5xi32>)  : i32 {
      %mul3A_81 = arith.constant 512 : i32
      %mul3A_82 = arith.muli %while3A_78, %mul3A_81 : i32
      %get3A_83 = arith.index_cast %while3A_78 : i32 to index
      %get3A_84 = arith.constant 0 : index
      %get3A_85 = arith.constant 0 : index
      %get3A_86 = vector.load %arg5[%get3A_83, %get3A_84, %get3A_85] : memref<98x8x512xf32, #tpu.memory_space<vmem>>, vector<1x8x512xf32>
      %reshape3A = vector.shape_cast %get3A_86 : vector<1x8x512xf32> to vector<8x512xf32>
      %get3A_87 = arith.index_cast %while3A_78 : i32 to index
      %get3A_88 = arith.constant 0 : index
      %get3A_89 = vector.load %arg6[%get3A_87, %get3A_88] : memref<98x512xi32, #tpu.memory_space<vmem>>, vector<1x512xi32>
      %slice3A_90 = vector.extract_strided_slice %reshape3A {offsets = [0, 0], sizes = [1, 512], strides = [1, 1]} : vector<8x512xf32> to vector<1x512xf32>
      %slice3A_91 = vector.extract_strided_slice %reshape3A {offsets = [1, 0], sizes = [1, 512], strides = [1, 1]} : vector<8x512xf32> to vector<1x512xf32>
      %slice3A_92 = vector.extract_strided_slice %reshape3A {offsets = [2, 0], sizes = [1, 512], strides = [1, 1]} : vector<8x512xf32> to vector<1x512xf32>
      %mul3A_93 = arith.mulf %slice3A_90, %slice3A_90 : vector<1x512xf32>
      %mul3A_94 = arith.mulf %slice3A_91, %slice3A_91 : vector<1x512xf32>
      %add3A_95 = arith.addf %mul3A_93, %mul3A_94 : vector<1x512xf32>
      %mul3A_96 = arith.mulf %slice3A_92, %slice3A_92 : vector<1x512xf32>
      %add3A_97 = arith.addf %add3A_95, %mul3A_96 : vector<1x512xf32>
      %dot_general3A = arith.constant dense<0.000000e+00> : vector<256x512xf32>
      %dot_general3A_98 = tpu.matmul %get3A_49, %reshape3A, %dot_general3A {dimension_numbers = #tpu.dot_dimension_numbers<[1], [0], [0], [1], [0, 0, 1, 1], [], []>, transpose_lhs_hint = false} : vector<256x8xf32>, vector<8x512xf32>, vector<256x512xf32> -> vector<256x512xf32>
      %mul3A_99 = arith.constant 2.000000e+00 : f32
      %mul3A_100 = vector.broadcast %mul3A_99 : f32 to vector<256x512xf32>
      %mul3A_101 = arith.mulf %mul3A_100, %dot_general3A_98 : vector<256x512xf32>
      %sub3A_102 = vector.broadcast %add3A_97 : vector<1x512xf32> to vector<256x512xf32>
      %sub3A_103 = arith.subf %sub3A_102, %mul3A_101 : vector<256x512xf32>
      %add3A_104 = vector.broadcast %add3A_56 : vector<256x1xf32> to vector<256x512xf32>
      %add3A_105 = arith.addf %sub3A_103, %add3A_104 : vector<256x512xf32>
      %add3A_106 = vector.broadcast %mul3A_82 : i32 to vector<256x512xi32>
      %add3A_107 = arith.addi %iota3A_62, %add3A_106 : vector<256x512xi32>
      %ne3A_108 = vector.broadcast %get3A_59 : vector<256x1xi32> to vector<256x512xi32>
      %ne3A_109 = vector.broadcast %get3A_89 : vector<1x512xi32> to vector<256x512xi32>
      %ne3A_110 = arith.cmpi ne, %ne3A_108, %ne3A_109 : vector<256x512xi32>
      %eq3A = arith.cmpi eq, %add3A_61, %add3A_107 : vector<256x512xi32>
      %or3A = arith.ori %ne3A_110, %eq3A : vector<256x512xi1>
      %jit3A_111 = arith.constant 1.000000e+10 : f32
      %broadcast_in_dim3A_112 = vector.broadcast %jit3A_111 : f32 to vector<256x512xf32>
      %select_n3A_113 = arith.select %or3A, %broadcast_in_dim3A_112, %add3A_105 : vector<256x512xi1>, vector<256x512xf32>
      %reduce_min3A = arith.constant dense<0x7F800000> : vector<256xf32>
      %reduce_min3A_114 = vector.multi_reduction <minimumf>, %select_n3A_113, %reduce_min3A [1] : vector<256x512xf32> to vector<256xf32>
      %broadcast_in_dim3A_115 = vector.shape_cast %reduce_min3A_114 : vector<256xf32> to vector<256x1xf32>
      %eq3A_116 = vector.broadcast %broadcast_in_dim3A_115 : vector<256x1xf32> to vector<256x512xf32>
      %eq3A_117 = arith.cmpf oeq, %select_n3A_113, %eq3A_116 : vector<256x512xf32>
      %jit3A_118 = arith.constant 1073741824 : i32
      %broadcast_in_dim3A_119 = vector.broadcast %jit3A_118 : i32 to vector<256x512xi32>
      %select_n3A_120 = arith.select %eq3A_117, %add3A_107, %broadcast_in_dim3A_119 : vector<256x512xi1>, vector<256x512xi32>
      %reduce_min3A_121 = arith.constant dense<2147483647> : vector<256xi32>
      %reduce_min3A_122 = vector.multi_reduction <minsi>, %select_n3A_120, %reduce_min3A_121 [1] : vector<256x512xi32> to vector<256xi32>
      %broadcast_in_dim3A_123 = vector.shape_cast %reduce_min3A_122 : vector<256xi32> to vector<256x1xi32>
      %eq3A_124 = vector.broadcast %broadcast_in_dim3A_123 : vector<256x1xi32> to vector<256x512xi32>
      %eq3A_125 = arith.cmpi eq, %add3A_107, %eq3A_124 : vector<256x512xi32>
      %jit3A_126 = arith.constant 0x7F800000 : f32
      %broadcast_in_dim3A_127 = vector.broadcast %jit3A_126 : f32 to vector<256x512xf32>
      %select_n3A_128 = arith.select %eq3A_125, %broadcast_in_dim3A_127, %select_n3A_113 : vector<256x512xi1>, vector<256x512xf32>
      %reduce_min3A_129 = arith.constant dense<0x7F800000> : vector<256xf32>
      %reduce_min3A_130 = vector.multi_reduction <minimumf>, %select_n3A_128, %reduce_min3A_129 [1] : vector<256x512xf32> to vector<256xf32>
      %broadcast_in_dim3A_131 = vector.shape_cast %reduce_min3A_130 : vector<256xf32> to vector<256x1xf32>
      %eq3A_132 = vector.broadcast %broadcast_in_dim3A_131 : vector<256x1xf32> to vector<256x512xf32>
      %eq3A_133 = arith.cmpf oeq, %select_n3A_128, %eq3A_132 : vector<256x512xf32>
      %jit3A_134 = arith.constant 1073741824 : i32
      %broadcast_in_dim3A_135 = vector.broadcast %jit3A_134 : i32 to vector<256x512xi32>
      %select_n3A_136 = arith.select %eq3A_133, %add3A_107, %broadcast_in_dim3A_135 : vector<256x512xi1>, vector<256x512xi32>
      %reduce_min3A_137 = arith.constant dense<2147483647> : vector<256xi32>
      %reduce_min3A_138 = vector.multi_reduction <minsi>, %select_n3A_136, %reduce_min3A_137 [1] : vector<256x512xi32> to vector<256xi32>
      %broadcast_in_dim3A_139 = vector.shape_cast %reduce_min3A_138 : vector<256xi32> to vector<256x1xi32>
      %eq3A_140 = vector.broadcast %broadcast_in_dim3A_139 : vector<256x1xi32> to vector<256x512xi32>
      %eq3A_141 = arith.cmpi eq, %add3A_107, %eq3A_140 : vector<256x512xi32>
      %jit3A_142 = arith.constant 0x7F800000 : f32
      %broadcast_in_dim3A_143 = vector.broadcast %jit3A_142 : f32 to vector<256x512xf32>
      %select_n3A_144 = arith.select %eq3A_141, %broadcast_in_dim3A_143, %select_n3A_128 : vector<256x512xi1>, vector<256x512xf32>
      %reduce_min3A_145 = arith.constant dense<0x7F800000> : vector<256xf32>
      %reduce_min3A_146 = vector.multi_reduction <minimumf>, %select_n3A_144, %reduce_min3A_145 [1] : vector<256x512xf32> to vector<256xf32>
      %broadcast_in_dim3A_147 = vector.shape_cast %reduce_min3A_146 : vector<256xf32> to vector<256x1xf32>
      %eq3A_148 = vector.broadcast %broadcast_in_dim3A_147 : vector<256x1xf32> to vector<256x512xf32>
      %eq3A_149 = arith.cmpf oeq, %select_n3A_144, %eq3A_148 : vector<256x512xf32>
      %jit3A_150 = arith.constant 1073741824 : i32
      %broadcast_in_dim3A_151 = vector.broadcast %jit3A_150 : i32 to vector<256x512xi32>
      %select_n3A_152 = arith.select %eq3A_149, %add3A_107, %broadcast_in_dim3A_151 : vector<256x512xi1>, vector<256x512xi32>
      %reduce_min3A_153 = arith.constant dense<2147483647> : vector<256xi32>
      %reduce_min3A_154 = vector.multi_reduction <minsi>, %select_n3A_152, %reduce_min3A_153 [1] : vector<256x512xi32> to vector<256xi32>
      %broadcast_in_dim3A_155 = vector.shape_cast %reduce_min3A_154 : vector<256xi32> to vector<256x1xi32>
      %eq3A_156 = vector.broadcast %broadcast_in_dim3A_155 : vector<256x1xi32> to vector<256x512xi32>
      %eq3A_157 = arith.cmpi eq, %add3A_107, %eq3A_156 : vector<256x512xi32>
      %jit3A_158 = arith.constant 0x7F800000 : f32
      %broadcast_in_dim3A_159 = vector.broadcast %jit3A_158 : f32 to vector<256x512xf32>
      %select_n3A_160 = arith.select %eq3A_157, %broadcast_in_dim3A_159, %select_n3A_144 : vector<256x512xi1>, vector<256x512xf32>
      %reduce_min3A_161 = arith.constant dense<0x7F800000> : vector<256xf32>
      %reduce_min3A_162 = vector.multi_reduction <minimumf>, %select_n3A_160, %reduce_min3A_161 [1] : vector<256x512xf32> to vector<256xf32>
      %broadcast_in_dim3A_163 = vector.shape_cast %reduce_min3A_162 : vector<256xf32> to vector<256x1xf32>
      %eq3A_164 = vector.broadcast %broadcast_in_dim3A_163 : vector<256x1xf32> to vector<256x512xf32>
      %eq3A_165 = arith.cmpf oeq, %select_n3A_160, %eq3A_164 : vector<256x512xf32>
      %jit3A_166 = arith.constant 1073741824 : i32
      %broadcast_in_dim3A_167 = vector.broadcast %jit3A_166 : i32 to vector<256x512xi32>
      %select_n3A_168 = arith.select %eq3A_165, %add3A_107, %broadcast_in_dim3A_167 : vector<256x512xi1>, vector<256x512xi32>
      %reduce_min3A_169 = arith.constant dense<2147483647> : vector<256xi32>
      %reduce_min3A_170 = vector.multi_reduction <minsi>, %select_n3A_168, %reduce_min3A_169 [1] : vector<256x512xi32> to vector<256xi32>
      %broadcast_in_dim3A_171 = vector.shape_cast %reduce_min3A_170 : vector<256xi32> to vector<256x1xi32>
      %eq3A_172 = vector.broadcast %broadcast_in_dim3A_171 : vector<256x1xi32> to vector<256x512xi32>
      %eq3A_173 = arith.cmpi eq, %add3A_107, %eq3A_172 : vector<256x512xi32>
      %jit3A_174 = arith.constant 0x7F800000 : f32
      %broadcast_in_dim3A_175 = vector.broadcast %jit3A_174 : f32 to vector<256x512xf32>
      %select_n3A_176 = arith.select %eq3A_173, %broadcast_in_dim3A_175, %select_n3A_160 : vector<256x512xi1>, vector<256x512xf32>
      %reduce_min3A_177 = arith.constant dense<0x7F800000> : vector<256xf32>
      %reduce_min3A_178 = vector.multi_reduction <minimumf>, %select_n3A_176, %reduce_min3A_177 [1] : vector<256x512xf32> to vector<256xf32>
      %broadcast_in_dim3A_179 = vector.shape_cast %reduce_min3A_178 : vector<256xf32> to vector<256x1xf32>
      %eq3A_180 = vector.broadcast %broadcast_in_dim3A_179 : vector<256x1xf32> to vector<256x512xf32>
      %eq3A_181 = arith.cmpf oeq, %select_n3A_176, %eq3A_180 : vector<256x512xf32>
      %jit3A_182 = arith.constant 1073741824 : i32
      %broadcast_in_dim3A_183 = vector.broadcast %jit3A_182 : i32 to vector<256x512xi32>
      %select_n3A_184 = arith.select %eq3A_181, %add3A_107, %broadcast_in_dim3A_183 : vector<256x512xi1>, vector<256x512xi32>
      %reduce_min3A_185 = arith.constant dense<2147483647> : vector<256xi32>
      %reduce_min3A_186 = vector.multi_reduction <minsi>, %select_n3A_184, %reduce_min3A_185 [1] : vector<256x512xi32> to vector<256xi32>
      %broadcast_in_dim3A_187 = vector.shape_cast %reduce_min3A_186 : vector<256xi32> to vector<256x1xi32>
      %eq3A_188 = vector.broadcast %broadcast_in_dim3A_187 : vector<256x1xi32> to vector<256x512xi32>
      %eq3A_189 = arith.cmpi eq, %add3A_107, %eq3A_188 : vector<256x512xi32>
      %jit3A_190 = arith.constant 0x7F800000 : f32
      %broadcast_in_dim3A_191 = vector.broadcast %jit3A_190 : f32 to vector<256x512xf32>
      %select_n3A_192 = arith.select %eq3A_189, %broadcast_in_dim3A_191, %select_n3A_176 : vector<256x512xi1>, vector<256x512xf32>
      %concatenate3A = tpu.concatenate %while3A_79, %broadcast_in_dim3A_115, %broadcast_in_dim3A_131, %broadcast_in_dim3A_147, %broadcast_in_dim3A_163, %broadcast_in_dim3A_179 in 1 : vector<256x5xf32>, vector<256x1xf32>, vector<256x1xf32>, vector<256x1xf32>, vector<256x1xf32>, vector<256x1xf32> -> vector<256x10xf32>
      %concatenate3A_193 = tpu.concatenate %while3A_80, %broadcast_in_dim3A_123, %broadcast_in_dim3A_139, %broadcast_in_dim3A_155, %broadcast_in_dim3A_171, %broadcast_in_dim3A_187 in 1 : vector<256x5xi32>, vector<256x1xi32>, vector<256x1xi32>, vector<256x1xi32>, vector<256x1xi32>, vector<256x1xi32> -> vector<256x10xi32>
      %reduce_min3A_194 = arith.constant dense<0x7F800000> : vector<256xf32>
      %reduce_min3A_195 = vector.multi_reduction <minimumf>, %concatenate3A, %reduce_min3A_194 [1] : vector<256x10xf32> to vector<256xf32>
      %broadcast_in_dim3A_196 = vector.shape_cast %reduce_min3A_195 : vector<256xf32> to vector<256x1xf32>
      %eq3A_197 = vector.broadcast %broadcast_in_dim3A_196 : vector<256x1xf32> to vector<256x10xf32>
      %eq3A_198 = arith.cmpf oeq, %concatenate3A, %eq3A_197 : vector<256x10xf32>
      %jit3A_199 = arith.constant 1073741824 : i32
      %broadcast_in_dim3A_200 = vector.broadcast %jit3A_199 : i32 to vector<256x10xi32>
      %select_n3A_201 = arith.select %eq3A_198, %iota3A_63, %broadcast_in_dim3A_200 : vector<256x10xi1>, vector<256x10xi32>
      %reduce_min3A_202 = arith.constant dense<2147483647> : vector<256xi32>
      %reduce_min3A_203 = vector.multi_reduction <minsi>, %select_n3A_201, %reduce_min3A_202 [1] : vector<256x10xi32> to vector<256xi32>
      %broadcast_in_dim3A_204 = vector.shape_cast %reduce_min3A_203 : vector<256xi32> to vector<256x1xi32>
      %eq3A_205 = vector.broadcast %broadcast_in_dim3A_204 : vector<256x1xi32> to vector<256x10xi32>
      %eq3A_206 = arith.cmpi eq, %iota3A_63, %eq3A_205 : vector<256x10xi32>
      %jit3A_207 = arith.constant 0 : i32
      %broadcast_in_dim3A_208 = vector.broadcast %jit3A_207 : i32 to vector<256x10xi32>
      %select_n3A_209 = arith.select %eq3A_206, %concatenate3A_193, %broadcast_in_dim3A_208 : vector<256x10xi1>, vector<256x10xi32>
      %reduce_sum3A = arith.constant dense<0> : vector<256xi32>
      %reduce_sum3A_210 = vector.multi_reduction <add>, %select_n3A_209, %reduce_sum3A [1] : vector<256x10xi32> to vector<256xi32>
      %broadcast_in_dim3A_211 = vector.shape_cast %reduce_sum3A_210 : vector<256xi32> to vector<256x1xi32>
      %jit3A_212 = arith.constant 0x7F800000 : f32
      %broadcast_in_dim3A_213 = vector.broadcast %jit3A_212 : f32 to vector<256x10xf32>
      %select_n3A_214 = arith.select %eq3A_206, %broadcast_in_dim3A_213, %concatenate3A : vector<256x10xi1>, vector<256x10xf32>
      %reduce_min3A_215 = arith.constant dense<0x7F800000> : vector<256xf32>
      %reduce_min3A_216 = vector.multi_reduction <minimumf>, %select_n3A_214, %reduce_min3A_215 [1] : vector<256x10xf32> to vector<256xf32>
      %broadcast_in_dim3A_217 = vector.shape_cast %reduce_min3A_216 : vector<256xf32> to vector<256x1xf32>
      %eq3A_218 = vector.broadcast %broadcast_in_dim3A_217 : vector<256x1xf32> to vector<256x10xf32>
      %eq3A_219 = arith.cmpf oeq, %select_n3A_214, %eq3A_218 : vector<256x10xf32>
      %jit3A_220 = arith.constant 1073741824 : i32
      %broadcast_in_dim3A_221 = vector.broadcast %jit3A_220 : i32 to vector<256x10xi32>
      %select_n3A_222 = arith.select %eq3A_219, %iota3A_63, %broadcast_in_dim3A_221 : vector<256x10xi1>, vector<256x10xi32>
      %reduce_min3A_223 = arith.constant dense<2147483647> : vector<256xi32>
      %reduce_min3A_224 = vector.multi_reduction <minsi>, %select_n3A_222, %reduce_min3A_223 [1] : vector<256x10xi32> to vector<256xi32>
      %broadcast_in_dim3A_225 = vector.shape_cast %reduce_min3A_224 : vector<256xi32> to vector<256x1xi32>
      %eq3A_226 = vector.broadcast %broadcast_in_dim3A_225 : vector<256x1xi32> to vector<256x10xi32>
      %eq3A_227 = arith.cmpi eq, %iota3A_63, %eq3A_226 : vector<256x10xi32>
      %jit3A_228 = arith.constant 0 : i32
      %broadcast_in_dim3A_229 = vector.broadcast %jit3A_228 : i32 to vector<256x10xi32>
      %select_n3A_230 = arith.select %eq3A_227, %concatenate3A_193, %broadcast_in_dim3A_229 : vector<256x10xi1>, vector<256x10xi32>
      %reduce_sum3A_231 = arith.constant dense<0> : vector<256xi32>
      %reduce_sum3A_232 = vector.multi_reduction <add>, %select_n3A_230, %reduce_sum3A_231 [1] : vector<256x10xi32> to vector<256xi32>
      %broadcast_in_dim3A_233 = vector.shape_cast %reduce_sum3A_232 : vector<256xi32> to vector<256x1xi32>
      %jit3A_234 = arith.constant 0x7F800000 : f32
      %broadcast_in_dim3A_235 = vector.broadcast %jit3A_234 : f32 to vector<256x10xf32>
      %select_n3A_236 = arith.select %eq3A_227, %broadcast_in_dim3A_235, %select_n3A_214 : vector<256x10xi1>, vector<256x10xf32>
      %reduce_min3A_237 = arith.constant dense<0x7F800000> : vector<256xf32>
      %reduce_min3A_238 = vector.multi_reduction <minimumf>, %select_n3A_236, %reduce_min3A_237 [1] : vector<256x10xf32> to vector<256xf32>
      %broadcast_in_dim3A_239 = vector.shape_cast %reduce_min3A_238 : vector<256xf32> to vector<256x1xf32>
      %eq3A_240 = vector.broadcast %broadcast_in_dim3A_239 : vector<256x1xf32> to vector<256x10xf32>
      %eq3A_241 = arith.cmpf oeq, %select_n3A_236, %eq3A_240 : vector<256x10xf32>
      %jit3A_242 = arith.constant 1073741824 : i32
      %broadcast_in_dim3A_243 = vector.broadcast %jit3A_242 : i32 to vector<256x10xi32>
      %select_n3A_244 = arith.select %eq3A_241, %iota3A_63, %broadcast_in_dim3A_243 : vector<256x10xi1>, vector<256x10xi32>
      %reduce_min3A_245 = arith.constant dense<2147483647> : vector<256xi32>
      %reduce_min3A_246 = vector.multi_reduction <minsi>, %select_n3A_244, %reduce_min3A_245 [1] : vector<256x10xi32> to vector<256xi32>
      %broadcast_in_dim3A_247 = vector.shape_cast %reduce_min3A_246 : vector<256xi32> to vector<256x1xi32>
      %eq3A_248 = vector.broadcast %broadcast_in_dim3A_247 : vector<256x1xi32> to vector<256x10xi32>
      %eq3A_249 = arith.cmpi eq, %iota3A_63, %eq3A_248 : vector<256x10xi32>
      %jit3A_250 = arith.constant 0 : i32
      %broadcast_in_dim3A_251 = vector.broadcast %jit3A_250 : i32 to vector<256x10xi32>
      %select_n3A_252 = arith.select %eq3A_249, %concatenate3A_193, %broadcast_in_dim3A_251 : vector<256x10xi1>, vector<256x10xi32>
      %reduce_sum3A_253 = arith.constant dense<0> : vector<256xi32>
      %reduce_sum3A_254 = vector.multi_reduction <add>, %select_n3A_252, %reduce_sum3A_253 [1] : vector<256x10xi32> to vector<256xi32>
      %broadcast_in_dim3A_255 = vector.shape_cast %reduce_sum3A_254 : vector<256xi32> to vector<256x1xi32>
      %jit3A_256 = arith.constant 0x7F800000 : f32
      %broadcast_in_dim3A_257 = vector.broadcast %jit3A_256 : f32 to vector<256x10xf32>
      %select_n3A_258 = arith.select %eq3A_249, %broadcast_in_dim3A_257, %select_n3A_236 : vector<256x10xi1>, vector<256x10xf32>
      %reduce_min3A_259 = arith.constant dense<0x7F800000> : vector<256xf32>
      %reduce_min3A_260 = vector.multi_reduction <minimumf>, %select_n3A_258, %reduce_min3A_259 [1] : vector<256x10xf32> to vector<256xf32>
      %broadcast_in_dim3A_261 = vector.shape_cast %reduce_min3A_260 : vector<256xf32> to vector<256x1xf32>
      %eq3A_262 = vector.broadcast %broadcast_in_dim3A_261 : vector<256x1xf32> to vector<256x10xf32>
      %eq3A_263 = arith.cmpf oeq, %select_n3A_258, %eq3A_262 : vector<256x10xf32>
      %jit3A_264 = arith.constant 1073741824 : i32
      %broadcast_in_dim3A_265 = vector.broadcast %jit3A_264 : i32 to vector<256x10xi32>
      %select_n3A_266 = arith.select %eq3A_263, %iota3A_63, %broadcast_in_dim3A_265 : vector<256x10xi1>, vector<256x10xi32>
      %reduce_min3A_267 = arith.constant dense<2147483647> : vector<256xi32>
      %reduce_min3A_268 = vector.multi_reduction <minsi>, %select_n3A_266, %reduce_min3A_267 [1] : vector<256x10xi32> to vector<256xi32>
      %broadcast_in_dim3A_269 = vector.shape_cast %reduce_min3A_268 : vector<256xi32> to vector<256x1xi32>
      %eq3A_270 = vector.broadcast %broadcast_in_dim3A_269 : vector<256x1xi32> to vector<256x10xi32>
      %eq3A_271 = arith.cmpi eq, %iota3A_63, %eq3A_270 : vector<256x10xi32>
      %jit3A_272 = arith.constant 0 : i32
      %broadcast_in_dim3A_273 = vector.broadcast %jit3A_272 : i32 to vector<256x10xi32>
      %select_n3A_274 = arith.select %eq3A_271, %concatenate3A_193, %broadcast_in_dim3A_273 : vector<256x10xi1>, vector<256x10xi32>
      %reduce_sum3A_275 = arith.constant dense<0> : vector<256xi32>
      %reduce_sum3A_276 = vector.multi_reduction <add>, %select_n3A_274, %reduce_sum3A_275 [1] : vector<256x10xi32> to vector<256xi32>
      %broadcast_in_dim3A_277 = vector.shape_cast %reduce_sum3A_276 : vector<256xi32> to vector<256x1xi32>
      %jit3A_278 = arith.constant 0x7F800000 : f32
      %broadcast_in_dim3A_279 = vector.broadcast %jit3A_278 : f32 to vector<256x10xf32>
      %select_n3A_280 = arith.select %eq3A_271, %broadcast_in_dim3A_279, %select_n3A_258 : vector<256x10xi1>, vector<256x10xf32>
      %reduce_min3A_281 = arith.constant dense<0x7F800000> : vector<256xf32>
      %reduce_min3A_282 = vector.multi_reduction <minimumf>, %select_n3A_280, %reduce_min3A_281 [1] : vector<256x10xf32> to vector<256xf32>
      %broadcast_in_dim3A_283 = vector.shape_cast %reduce_min3A_282 : vector<256xf32> to vector<256x1xf32>
      %eq3A_284 = vector.broadcast %broadcast_in_dim3A_283 : vector<256x1xf32> to vector<256x10xf32>
      %eq3A_285 = arith.cmpf oeq, %select_n3A_280, %eq3A_284 : vector<256x10xf32>
      %jit3A_286 = arith.constant 1073741824 : i32
      %broadcast_in_dim3A_287 = vector.broadcast %jit3A_286 : i32 to vector<256x10xi32>
      %select_n3A_288 = arith.select %eq3A_285, %iota3A_63, %broadcast_in_dim3A_287 : vector<256x10xi1>, vector<256x10xi32>
      %reduce_min3A_289 = arith.constant dense<2147483647> : vector<256xi32>
      %reduce_min3A_290 = vector.multi_reduction <minsi>, %select_n3A_288, %reduce_min3A_289 [1] : vector<256x10xi32> to vector<256xi32>
      %broadcast_in_dim3A_291 = vector.shape_cast %reduce_min3A_290 : vector<256xi32> to vector<256x1xi32>
      %eq3A_292 = vector.broadcast %broadcast_in_dim3A_291 : vector<256x1xi32> to vector<256x10xi32>
      %eq3A_293 = arith.cmpi eq, %iota3A_63, %eq3A_292 : vector<256x10xi32>
      %jit3A_294 = arith.constant 0 : i32
      %broadcast_in_dim3A_295 = vector.broadcast %jit3A_294 : i32 to vector<256x10xi32>
      %select_n3A_296 = arith.select %eq3A_293, %concatenate3A_193, %broadcast_in_dim3A_295 : vector<256x10xi1>, vector<256x10xi32>
      %reduce_sum3A_297 = arith.constant dense<0> : vector<256xi32>
      %reduce_sum3A_298 = vector.multi_reduction <add>, %select_n3A_296, %reduce_sum3A_297 [1] : vector<256x10xi32> to vector<256xi32>
      %broadcast_in_dim3A_299 = vector.shape_cast %reduce_sum3A_298 : vector<256xi32> to vector<256x1xi32>
      %jit3A_300 = arith.constant 0x7F800000 : f32
      %broadcast_in_dim3A_301 = vector.broadcast %jit3A_300 : f32 to vector<256x10xf32>
      %select_n3A_302 = arith.select %eq3A_293, %broadcast_in_dim3A_301, %select_n3A_280 : vector<256x10xi1>, vector<256x10xf32>
      %concatenate3A_303 = tpu.concatenate %broadcast_in_dim3A_196, %broadcast_in_dim3A_217, %broadcast_in_dim3A_239, %broadcast_in_dim3A_261, %broadcast_in_dim3A_283 in 1 : vector<256x1xf32>, vector<256x1xf32>, vector<256x1xf32>, vector<256x1xf32>, vector<256x1xf32> -> vector<256x5xf32>
      %concatenate3A_304 = tpu.concatenate %broadcast_in_dim3A_211, %broadcast_in_dim3A_233, %broadcast_in_dim3A_255, %broadcast_in_dim3A_277, %broadcast_in_dim3A_299 in 1 : vector<256x1xi32>, vector<256x1xi32>, vector<256x1xi32>, vector<256x1xi32>, vector<256x1xi32> -> vector<256x5xi32>
      scf.yield %concatenate3A_303, %concatenate3A_304 : vector<256x5xf32>, vector<256x5xi32>
    }
    %while3A_74 = arith.constant 1 : i32
    %while3A_75:2 = scf.for %while3A_78 = %while3A_71 to %while3A_67 step %while3A_74 iter_args(%while3A_79 = %while3A_73#0, %while3A_80 = %while3A_73#1) -> (vector<256x5xf32>, vector<256x5xi32>)  : i32 {
      %mul3A_81 = arith.constant 512 : i32
      %mul3A_82 = arith.muli %while3A_78, %mul3A_81 : i32
      %get3A_83 = arith.index_cast %while3A_78 : i32 to index
      %get3A_84 = arith.constant 0 : index
      %get3A_85 = arith.constant 0 : index
      %get3A_86 = vector.load %arg5[%get3A_83, %get3A_84, %get3A_85] : memref<98x8x512xf32, #tpu.memory_space<vmem>>, vector<1x8x512xf32>
      %reshape3A = vector.shape_cast %get3A_86 : vector<1x8x512xf32> to vector<8x512xf32>
      %get3A_87 = arith.index_cast %while3A_78 : i32 to index
      %get3A_88 = arith.constant 0 : index
      %get3A_89 = vector.load %arg6[%get3A_87, %get3A_88] : memref<98x512xi32, #tpu.memory_space<vmem>>, vector<1x512xi32>
      %slice3A_90 = vector.extract_strided_slice %reshape3A {offsets = [0, 0], sizes = [1, 512], strides = [1, 1]} : vector<8x512xf32> to vector<1x512xf32>
      %slice3A_91 = vector.extract_strided_slice %reshape3A {offsets = [1, 0], sizes = [1, 512], strides = [1, 1]} : vector<8x512xf32> to vector<1x512xf32>
      %slice3A_92 = vector.extract_strided_slice %reshape3A {offsets = [2, 0], sizes = [1, 512], strides = [1, 1]} : vector<8x512xf32> to vector<1x512xf32>
      %mul3A_93 = arith.mulf %slice3A_90, %slice3A_90 : vector<1x512xf32>
      %mul3A_94 = arith.mulf %slice3A_91, %slice3A_91 : vector<1x512xf32>
      %add3A_95 = arith.addf %mul3A_93, %mul3A_94 : vector<1x512xf32>
      %mul3A_96 = arith.mulf %slice3A_92, %slice3A_92 : vector<1x512xf32>
      %add3A_97 = arith.addf %add3A_95, %mul3A_96 : vector<1x512xf32>
      %dot_general3A = arith.constant dense<0.000000e+00> : vector<256x512xf32>
      %dot_general3A_98 = tpu.matmul %get3A_49, %reshape3A, %dot_general3A {dimension_numbers = #tpu.dot_dimension_numbers<[1], [0], [0], [1], [0, 0, 1, 1], [], []>, transpose_lhs_hint = false} : vector<256x8xf32>, vector<8x512xf32>, vector<256x512xf32> -> vector<256x512xf32>
      %mul3A_99 = arith.constant 2.000000e+00 : f32
      %mul3A_100 = vector.broadcast %mul3A_99 : f32 to vector<256x512xf32>
      %mul3A_101 = arith.mulf %mul3A_100, %dot_general3A_98 : vector<256x512xf32>
      %sub3A_102 = vector.broadcast %add3A_97 : vector<1x512xf32> to vector<256x512xf32>
      %sub3A_103 = arith.subf %sub3A_102, %mul3A_101 : vector<256x512xf32>
      %add3A_104 = vector.broadcast %add3A_56 : vector<256x1xf32> to vector<256x512xf32>
      %add3A_105 = arith.addf %sub3A_103, %add3A_104 : vector<256x512xf32>
      %add3A_106 = vector.broadcast %mul3A_82 : i32 to vector<256x512xi32>
      %add3A_107 = arith.addi %iota3A_62, %add3A_106 : vector<256x512xi32>
      %ne3A_108 = vector.broadcast %get3A_59 : vector<256x1xi32> to vector<256x512xi32>
      %ne3A_109 = vector.broadcast %get3A_89 : vector<1x512xi32> to vector<256x512xi32>
      %ne3A_110 = arith.cmpi ne, %ne3A_108, %ne3A_109 : vector<256x512xi32>
      %eq3A = arith.cmpi eq, %add3A_61, %add3A_107 : vector<256x512xi32>
      %or3A = arith.ori %ne3A_110, %eq3A : vector<256x512xi1>
      %jit3A_111 = arith.constant 1.000000e+10 : f32
      %broadcast_in_dim3A_112 = vector.broadcast %jit3A_111 : f32 to vector<256x512xf32>
      %select_n3A_113 = arith.select %or3A, %broadcast_in_dim3A_112, %add3A_105 : vector<256x512xi1>, vector<256x512xf32>
      %reduce_min3A = arith.constant dense<0x7F800000> : vector<256xf32>
      %reduce_min3A_114 = vector.multi_reduction <minimumf>, %select_n3A_113, %reduce_min3A [1] : vector<256x512xf32> to vector<256xf32>
      %broadcast_in_dim3A_115 = vector.shape_cast %reduce_min3A_114 : vector<256xf32> to vector<256x1xf32>
      %eq3A_116 = vector.broadcast %broadcast_in_dim3A_115 : vector<256x1xf32> to vector<256x512xf32>
      %eq3A_117 = arith.cmpf oeq, %select_n3A_113, %eq3A_116 : vector<256x512xf32>
      %jit3A_118 = arith.constant 1073741824 : i32
      %broadcast_in_dim3A_119 = vector.broadcast %jit3A_118 : i32 to vector<256x512xi32>
      %select_n3A_120 = arith.select %eq3A_117, %add3A_107, %broadcast_in_dim3A_119 : vector<256x512xi1>, vector<256x512xi32>
      %reduce_min3A_121 = arith.constant dense<2147483647> : vector<256xi32>
      %reduce_min3A_122 = vector.multi_reduction <minsi>, %select_n3A_120, %reduce_min3A_121 [1] : vector<256x512xi32> to vector<256xi32>
      %broadcast_in_dim3A_123 = vector.shape_cast %reduce_min3A_122 : vector<256xi32> to vector<256x1xi32>
      %eq3A_124 = vector.broadcast %broadcast_in_dim3A_123 : vector<256x1xi32> to vector<256x512xi32>
      %eq3A_125 = arith.cmpi eq, %add3A_107, %eq3A_124 : vector<256x512xi32>
      %jit3A_126 = arith.constant 0x7F800000 : f32
      %broadcast_in_dim3A_127 = vector.broadcast %jit3A_126 : f32 to vector<256x512xf32>
      %select_n3A_128 = arith.select %eq3A_125, %broadcast_in_dim3A_127, %select_n3A_113 : vector<256x512xi1>, vector<256x512xf32>
      %reduce_min3A_129 = arith.constant dense<0x7F800000> : vector<256xf32>
      %reduce_min3A_130 = vector.multi_reduction <minimumf>, %select_n3A_128, %reduce_min3A_129 [1] : vector<256x512xf32> to vector<256xf32>
      %broadcast_in_dim3A_131 = vector.shape_cast %reduce_min3A_130 : vector<256xf32> to vector<256x1xf32>
      %eq3A_132 = vector.broadcast %broadcast_in_dim3A_131 : vector<256x1xf32> to vector<256x512xf32>
      %eq3A_133 = arith.cmpf oeq, %select_n3A_128, %eq3A_132 : vector<256x512xf32>
      %jit3A_134 = arith.constant 1073741824 : i32
      %broadcast_in_dim3A_135 = vector.broadcast %jit3A_134 : i32 to vector<256x512xi32>
      %select_n3A_136 = arith.select %eq3A_133, %add3A_107, %broadcast_in_dim3A_135 : vector<256x512xi1>, vector<256x512xi32>
      %reduce_min3A_137 = arith.constant dense<2147483647> : vector<256xi32>
      %reduce_min3A_138 = vector.multi_reduction <minsi>, %select_n3A_136, %reduce_min3A_137 [1] : vector<256x512xi32> to vector<256xi32>
      %broadcast_in_dim3A_139 = vector.shape_cast %reduce_min3A_138 : vector<256xi32> to vector<256x1xi32>
      %eq3A_140 = vector.broadcast %broadcast_in_dim3A_139 : vector<256x1xi32> to vector<256x512xi32>
      %eq3A_141 = arith.cmpi eq, %add3A_107, %eq3A_140 : vector<256x512xi32>
      %jit3A_142 = arith.constant 0x7F800000 : f32
      %broadcast_in_dim3A_143 = vector.broadcast %jit3A_142 : f32 to vector<256x512xf32>
      %select_n3A_144 = arith.select %eq3A_141, %broadcast_in_dim3A_143, %select_n3A_128 : vector<256x512xi1>, vector<256x512xf32>
      %reduce_min3A_145 = arith.constant dense<0x7F800000> : vector<256xf32>
      %reduce_min3A_146 = vector.multi_reduction <minimumf>, %select_n3A_144, %reduce_min3A_145 [1] : vector<256x512xf32> to vector<256xf32>
      %broadcast_in_dim3A_147 = vector.shape_cast %reduce_min3A_146 : vector<256xf32> to vector<256x1xf32>
      %eq3A_148 = vector.broadcast %broadcast_in_dim3A_147 : vector<256x1xf32> to vector<256x512xf32>
      %eq3A_149 = arith.cmpf oeq, %select_n3A_144, %eq3A_148 : vector<256x512xf32>
      %jit3A_150 = arith.constant 1073741824 : i32
      %broadcast_in_dim3A_151 = vector.broadcast %jit3A_150 : i32 to vector<256x512xi32>
      %select_n3A_152 = arith.select %eq3A_149, %add3A_107, %broadcast_in_dim3A_151 : vector<256x512xi1>, vector<256x512xi32>
      %reduce_min3A_153 = arith.constant dense<2147483647> : vector<256xi32>
      %reduce_min3A_154 = vector.multi_reduction <minsi>, %select_n3A_152, %reduce_min3A_153 [1] : vector<256x512xi32> to vector<256xi32>
      %broadcast_in_dim3A_155 = vector.shape_cast %reduce_min3A_154 : vector<256xi32> to vector<256x1xi32>
      %eq3A_156 = vector.broadcast %broadcast_in_dim3A_155 : vector<256x1xi32> to vector<256x512xi32>
      %eq3A_157 = arith.cmpi eq, %add3A_107, %eq3A_156 : vector<256x512xi32>
      %jit3A_158 = arith.constant 0x7F800000 : f32
      %broadcast_in_dim3A_159 = vector.broadcast %jit3A_158 : f32 to vector<256x512xf32>
      %select_n3A_160 = arith.select %eq3A_157, %broadcast_in_dim3A_159, %select_n3A_144 : vector<256x512xi1>, vector<256x512xf32>
      %reduce_min3A_161 = arith.constant dense<0x7F800000> : vector<256xf32>
      %reduce_min3A_162 = vector.multi_reduction <minimumf>, %select_n3A_160, %reduce_min3A_161 [1] : vector<256x512xf32> to vector<256xf32>
      %broadcast_in_dim3A_163 = vector.shape_cast %reduce_min3A_162 : vector<256xf32> to vector<256x1xf32>
      %eq3A_164 = vector.broadcast %broadcast_in_dim3A_163 : vector<256x1xf32> to vector<256x512xf32>
      %eq3A_165 = arith.cmpf oeq, %select_n3A_160, %eq3A_164 : vector<256x512xf32>
      %jit3A_166 = arith.constant 1073741824 : i32
      %broadcast_in_dim3A_167 = vector.broadcast %jit3A_166 : i32 to vector<256x512xi32>
      %select_n3A_168 = arith.select %eq3A_165, %add3A_107, %broadcast_in_dim3A_167 : vector<256x512xi1>, vector<256x512xi32>
      %reduce_min3A_169 = arith.constant dense<2147483647> : vector<256xi32>
      %reduce_min3A_170 = vector.multi_reduction <minsi>, %select_n3A_168, %reduce_min3A_169 [1] : vector<256x512xi32> to vector<256xi32>
      %broadcast_in_dim3A_171 = vector.shape_cast %reduce_min3A_170 : vector<256xi32> to vector<256x1xi32>
      %eq3A_172 = vector.broadcast %broadcast_in_dim3A_171 : vector<256x1xi32> to vector<256x512xi32>
      %eq3A_173 = arith.cmpi eq, %add3A_107, %eq3A_172 : vector<256x512xi32>
      %jit3A_174 = arith.constant 0x7F800000 : f32
      %broadcast_in_dim3A_175 = vector.broadcast %jit3A_174 : f32 to vector<256x512xf32>
      %select_n3A_176 = arith.select %eq3A_173, %broadcast_in_dim3A_175, %select_n3A_160 : vector<256x512xi1>, vector<256x512xf32>
      %reduce_min3A_177 = arith.constant dense<0x7F800000> : vector<256xf32>
      %reduce_min3A_178 = vector.multi_reduction <minimumf>, %select_n3A_176, %reduce_min3A_177 [1] : vector<256x512xf32> to vector<256xf32>
      %broadcast_in_dim3A_179 = vector.shape_cast %reduce_min3A_178 : vector<256xf32> to vector<256x1xf32>
      %eq3A_180 = vector.broadcast %broadcast_in_dim3A_179 : vector<256x1xf32> to vector<256x512xf32>
      %eq3A_181 = arith.cmpf oeq, %select_n3A_176, %eq3A_180 : vector<256x512xf32>
      %jit3A_182 = arith.constant 1073741824 : i32
      %broadcast_in_dim3A_183 = vector.broadcast %jit3A_182 : i32 to vector<256x512xi32>
      %select_n3A_184 = arith.select %eq3A_181, %add3A_107, %broadcast_in_dim3A_183 : vector<256x512xi1>, vector<256x512xi32>
      %reduce_min3A_185 = arith.constant dense<2147483647> : vector<256xi32>
      %reduce_min3A_186 = vector.multi_reduction <minsi>, %select_n3A_184, %reduce_min3A_185 [1] : vector<256x512xi32> to vector<256xi32>
      %broadcast_in_dim3A_187 = vector.shape_cast %reduce_min3A_186 : vector<256xi32> to vector<256x1xi32>
      %eq3A_188 = vector.broadcast %broadcast_in_dim3A_187 : vector<256x1xi32> to vector<256x512xi32>
      %eq3A_189 = arith.cmpi eq, %add3A_107, %eq3A_188 : vector<256x512xi32>
      %jit3A_190 = arith.constant 0x7F800000 : f32
      %broadcast_in_dim3A_191 = vector.broadcast %jit3A_190 : f32 to vector<256x512xf32>
      %select_n3A_192 = arith.select %eq3A_189, %broadcast_in_dim3A_191, %select_n3A_176 : vector<256x512xi1>, vector<256x512xf32>
      %concatenate3A = tpu.concatenate %while3A_79, %broadcast_in_dim3A_115, %broadcast_in_dim3A_131, %broadcast_in_dim3A_147, %broadcast_in_dim3A_163, %broadcast_in_dim3A_179 in 1 : vector<256x5xf32>, vector<256x1xf32>, vector<256x1xf32>, vector<256x1xf32>, vector<256x1xf32>, vector<256x1xf32> -> vector<256x10xf32>
      %concatenate3A_193 = tpu.concatenate %while3A_80, %broadcast_in_dim3A_123, %broadcast_in_dim3A_139, %broadcast_in_dim3A_155, %broadcast_in_dim3A_171, %broadcast_in_dim3A_187 in 1 : vector<256x5xi32>, vector<256x1xi32>, vector<256x1xi32>, vector<256x1xi32>, vector<256x1xi32>, vector<256x1xi32> -> vector<256x10xi32>
      %reduce_min3A_194 = arith.constant dense<0x7F800000> : vector<256xf32>
      %reduce_min3A_195 = vector.multi_reduction <minimumf>, %concatenate3A, %reduce_min3A_194 [1] : vector<256x10xf32> to vector<256xf32>
      %broadcast_in_dim3A_196 = vector.shape_cast %reduce_min3A_195 : vector<256xf32> to vector<256x1xf32>
      %eq3A_197 = vector.broadcast %broadcast_in_dim3A_196 : vector<256x1xf32> to vector<256x10xf32>
      %eq3A_198 = arith.cmpf oeq, %concatenate3A, %eq3A_197 : vector<256x10xf32>
      %jit3A_199 = arith.constant 1073741824 : i32
      %broadcast_in_dim3A_200 = vector.broadcast %jit3A_199 : i32 to vector<256x10xi32>
      %select_n3A_201 = arith.select %eq3A_198, %iota3A_63, %broadcast_in_dim3A_200 : vector<256x10xi1>, vector<256x10xi32>
      %reduce_min3A_202 = arith.constant dense<2147483647> : vector<256xi32>
      %reduce_min3A_203 = vector.multi_reduction <minsi>, %select_n3A_201, %reduce_min3A_202 [1] : vector<256x10xi32> to vector<256xi32>
      %broadcast_in_dim3A_204 = vector.shape_cast %reduce_min3A_203 : vector<256xi32> to vector<256x1xi32>
      %eq3A_205 = vector.broadcast %broadcast_in_dim3A_204 : vector<256x1xi32> to vector<256x10xi32>
      %eq3A_206 = arith.cmpi eq, %iota3A_63, %eq3A_205 : vector<256x10xi32>
      %jit3A_207 = arith.constant 0 : i32
      %broadcast_in_dim3A_208 = vector.broadcast %jit3A_207 : i32 to vector<256x10xi32>
      %select_n3A_209 = arith.select %eq3A_206, %concatenate3A_193, %broadcast_in_dim3A_208 : vector<256x10xi1>, vector<256x10xi32>
      %reduce_sum3A = arith.constant dense<0> : vector<256xi32>
      %reduce_sum3A_210 = vector.multi_reduction <add>, %select_n3A_209, %reduce_sum3A [1] : vector<256x10xi32> to vector<256xi32>
      %broadcast_in_dim3A_211 = vector.shape_cast %reduce_sum3A_210 : vector<256xi32> to vector<256x1xi32>
      %jit3A_212 = arith.constant 0x7F800000 : f32
      %broadcast_in_dim3A_213 = vector.broadcast %jit3A_212 : f32 to vector<256x10xf32>
      %select_n3A_214 = arith.select %eq3A_206, %broadcast_in_dim3A_213, %concatenate3A : vector<256x10xi1>, vector<256x10xf32>
      %reduce_min3A_215 = arith.constant dense<0x7F800000> : vector<256xf32>
      %reduce_min3A_216 = vector.multi_reduction <minimumf>, %select_n3A_214, %reduce_min3A_215 [1] : vector<256x10xf32> to vector<256xf32>
      %broadcast_in_dim3A_217 = vector.shape_cast %reduce_min3A_216 : vector<256xf32> to vector<256x1xf32>
      %eq3A_218 = vector.broadcast %broadcast_in_dim3A_217 : vector<256x1xf32> to vector<256x10xf32>
      %eq3A_219 = arith.cmpf oeq, %select_n3A_214, %eq3A_218 : vector<256x10xf32>
      %jit3A_220 = arith.constant 1073741824 : i32
      %broadcast_in_dim3A_221 = vector.broadcast %jit3A_220 : i32 to vector<256x10xi32>
      %select_n3A_222 = arith.select %eq3A_219, %iota3A_63, %broadcast_in_dim3A_221 : vector<256x10xi1>, vector<256x10xi32>
      %reduce_min3A_223 = arith.constant dense<2147483647> : vector<256xi32>
      %reduce_min3A_224 = vector.multi_reduction <minsi>, %select_n3A_222, %reduce_min3A_223 [1] : vector<256x10xi32> to vector<256xi32>
      %broadcast_in_dim3A_225 = vector.shape_cast %reduce_min3A_224 : vector<256xi32> to vector<256x1xi32>
      %eq3A_226 = vector.broadcast %broadcast_in_dim3A_225 : vector<256x1xi32> to vector<256x10xi32>
      %eq3A_227 = arith.cmpi eq, %iota3A_63, %eq3A_226 : vector<256x10xi32>
      %jit3A_228 = arith.constant 0 : i32
      %broadcast_in_dim3A_229 = vector.broadcast %jit3A_228 : i32 to vector<256x10xi32>
      %select_n3A_230 = arith.select %eq3A_227, %concatenate3A_193, %broadcast_in_dim3A_229 : vector<256x10xi1>, vector<256x10xi32>
      %reduce_sum3A_231 = arith.constant dense<0> : vector<256xi32>
      %reduce_sum3A_232 = vector.multi_reduction <add>, %select_n3A_230, %reduce_sum3A_231 [1] : vector<256x10xi32> to vector<256xi32>
      %broadcast_in_dim3A_233 = vector.shape_cast %reduce_sum3A_232 : vector<256xi32> to vector<256x1xi32>
      %jit3A_234 = arith.constant 0x7F800000 : f32
      %broadcast_in_dim3A_235 = vector.broadcast %jit3A_234 : f32 to vector<256x10xf32>
      %select_n3A_236 = arith.select %eq3A_227, %broadcast_in_dim3A_235, %select_n3A_214 : vector<256x10xi1>, vector<256x10xf32>
      %reduce_min3A_237 = arith.constant dense<0x7F800000> : vector<256xf32>
      %reduce_min3A_238 = vector.multi_reduction <minimumf>, %select_n3A_236, %reduce_min3A_237 [1] : vector<256x10xf32> to vector<256xf32>
      %broadcast_in_dim3A_239 = vector.shape_cast %reduce_min3A_238 : vector<256xf32> to vector<256x1xf32>
      %eq3A_240 = vector.broadcast %broadcast_in_dim3A_239 : vector<256x1xf32> to vector<256x10xf32>
      %eq3A_241 = arith.cmpf oeq, %select_n3A_236, %eq3A_240 : vector<256x10xf32>
      %jit3A_242 = arith.constant 1073741824 : i32
      %broadcast_in_dim3A_243 = vector.broadcast %jit3A_242 : i32 to vector<256x10xi32>
      %select_n3A_244 = arith.select %eq3A_241, %iota3A_63, %broadcast_in_dim3A_243 : vector<256x10xi1>, vector<256x10xi32>
      %reduce_min3A_245 = arith.constant dense<2147483647> : vector<256xi32>
      %reduce_min3A_246 = vector.multi_reduction <minsi>, %select_n3A_244, %reduce_min3A_245 [1] : vector<256x10xi32> to vector<256xi32>
      %broadcast_in_dim3A_247 = vector.shape_cast %reduce_min3A_246 : vector<256xi32> to vector<256x1xi32>
      %eq3A_248 = vector.broadcast %broadcast_in_dim3A_247 : vector<256x1xi32> to vector<256x10xi32>
      %eq3A_249 = arith.cmpi eq, %iota3A_63, %eq3A_248 : vector<256x10xi32>
      %jit3A_250 = arith.constant 0 : i32
      %broadcast_in_dim3A_251 = vector.broadcast %jit3A_250 : i32 to vector<256x10xi32>
      %select_n3A_252 = arith.select %eq3A_249, %concatenate3A_193, %broadcast_in_dim3A_251 : vector<256x10xi1>, vector<256x10xi32>
      %reduce_sum3A_253 = arith.constant dense<0> : vector<256xi32>
      %reduce_sum3A_254 = vector.multi_reduction <add>, %select_n3A_252, %reduce_sum3A_253 [1] : vector<256x10xi32> to vector<256xi32>
      %broadcast_in_dim3A_255 = vector.shape_cast %reduce_sum3A_254 : vector<256xi32> to vector<256x1xi32>
      %jit3A_256 = arith.constant 0x7F800000 : f32
      %broadcast_in_dim3A_257 = vector.broadcast %jit3A_256 : f32 to vector<256x10xf32>
      %select_n3A_258 = arith.select %eq3A_249, %broadcast_in_dim3A_257, %select_n3A_236 : vector<256x10xi1>, vector<256x10xf32>
      %reduce_min3A_259 = arith.constant dense<0x7F800000> : vector<256xf32>
      %reduce_min3A_260 = vector.multi_reduction <minimumf>, %select_n3A_258, %reduce_min3A_259 [1] : vector<256x10xf32> to vector<256xf32>
      %broadcast_in_dim3A_261 = vector.shape_cast %reduce_min3A_260 : vector<256xf32> to vector<256x1xf32>
      %eq3A_262 = vector.broadcast %broadcast_in_dim3A_261 : vector<256x1xf32> to vector<256x10xf32>
      %eq3A_263 = arith.cmpf oeq, %select_n3A_258, %eq3A_262 : vector<256x10xf32>
      %jit3A_264 = arith.constant 1073741824 : i32
      %broadcast_in_dim3A_265 = vector.broadcast %jit3A_264 : i32 to vector<256x10xi32>
      %select_n3A_266 = arith.select %eq3A_263, %iota3A_63, %broadcast_in_dim3A_265 : vector<256x10xi1>, vector<256x10xi32>
      %reduce_min3A_267 = arith.constant dense<2147483647> : vector<256xi32>
      %reduce_min3A_268 = vector.multi_reduction <minsi>, %select_n3A_266, %reduce_min3A_267 [1] : vector<256x10xi32> to vector<256xi32>
      %broadcast_in_dim3A_269 = vector.shape_cast %reduce_min3A_268 : vector<256xi32> to vector<256x1xi32>
      %eq3A_270 = vector.broadcast %broadcast_in_dim3A_269 : vector<256x1xi32> to vector<256x10xi32>
      %eq3A_271 = arith.cmpi eq, %iota3A_63, %eq3A_270 : vector<256x10xi32>
      %jit3A_272 = arith.constant 0 : i32
      %broadcast_in_dim3A_273 = vector.broadcast %jit3A_272 : i32 to vector<256x10xi32>
      %select_n3A_274 = arith.select %eq3A_271, %concatenate3A_193, %broadcast_in_dim3A_273 : vector<256x10xi1>, vector<256x10xi32>
      %reduce_sum3A_275 = arith.constant dense<0> : vector<256xi32>
      %reduce_sum3A_276 = vector.multi_reduction <add>, %select_n3A_274, %reduce_sum3A_275 [1] : vector<256x10xi32> to vector<256xi32>
      %broadcast_in_dim3A_277 = vector.shape_cast %reduce_sum3A_276 : vector<256xi32> to vector<256x1xi32>
      %jit3A_278 = arith.constant 0x7F800000 : f32
      %broadcast_in_dim3A_279 = vector.broadcast %jit3A_278 : f32 to vector<256x10xf32>
      %select_n3A_280 = arith.select %eq3A_271, %broadcast_in_dim3A_279, %select_n3A_258 : vector<256x10xi1>, vector<256x10xf32>
      %reduce_min3A_281 = arith.constant dense<0x7F800000> : vector<256xf32>
      %reduce_min3A_282 = vector.multi_reduction <minimumf>, %select_n3A_280, %reduce_min3A_281 [1] : vector<256x10xf32> to vector<256xf32>
      %broadcast_in_dim3A_283 = vector.shape_cast %reduce_min3A_282 : vector<256xf32> to vector<256x1xf32>
      %eq3A_284 = vector.broadcast %broadcast_in_dim3A_283 : vector<256x1xf32> to vector<256x10xf32>
      %eq3A_285 = arith.cmpf oeq, %select_n3A_280, %eq3A_284 : vector<256x10xf32>
      %jit3A_286 = arith.constant 1073741824 : i32
      %broadcast_in_dim3A_287 = vector.broadcast %jit3A_286 : i32 to vector<256x10xi32>
      %select_n3A_288 = arith.select %eq3A_285, %iota3A_63, %broadcast_in_dim3A_287 : vector<256x10xi1>, vector<256x10xi32>
      %reduce_min3A_289 = arith.constant dense<2147483647> : vector<256xi32>
      %reduce_min3A_290 = vector.multi_reduction <minsi>, %select_n3A_288, %reduce_min3A_289 [1] : vector<256x10xi32> to vector<256xi32>
      %broadcast_in_dim3A_291 = vector.shape_cast %reduce_min3A_290 : vector<256xi32> to vector<256x1xi32>
      %eq3A_292 = vector.broadcast %broadcast_in_dim3A_291 : vector<256x1xi32> to vector<256x10xi32>
      %eq3A_293 = arith.cmpi eq, %iota3A_63, %eq3A_292 : vector<256x10xi32>
      %jit3A_294 = arith.constant 0 : i32
      %broadcast_in_dim3A_295 = vector.broadcast %jit3A_294 : i32 to vector<256x10xi32>
      %select_n3A_296 = arith.select %eq3A_293, %concatenate3A_193, %broadcast_in_dim3A_295 : vector<256x10xi1>, vector<256x10xi32>
      %reduce_sum3A_297 = arith.constant dense<0> : vector<256xi32>
      %reduce_sum3A_298 = vector.multi_reduction <add>, %select_n3A_296, %reduce_sum3A_297 [1] : vector<256x10xi32> to vector<256xi32>
      %broadcast_in_dim3A_299 = vector.shape_cast %reduce_sum3A_298 : vector<256xi32> to vector<256x1xi32>
      %jit3A_300 = arith.constant 0x7F800000 : f32
      %broadcast_in_dim3A_301 = vector.broadcast %jit3A_300 : f32 to vector<256x10xf32>
      %select_n3A_302 = arith.select %eq3A_293, %broadcast_in_dim3A_301, %select_n3A_280 : vector<256x10xi1>, vector<256x10xf32>
      %concatenate3A_303 = tpu.concatenate %broadcast_in_dim3A_196, %broadcast_in_dim3A_217, %broadcast_in_dim3A_239, %broadcast_in_dim3A_261, %broadcast_in_dim3A_283 in 1 : vector<256x1xf32>, vector<256x1xf32>, vector<256x1xf32>, vector<256x1xf32>, vector<256x1xf32> -> vector<256x5xf32>
      %concatenate3A_304 = tpu.concatenate %broadcast_in_dim3A_211, %broadcast_in_dim3A_233, %broadcast_in_dim3A_255, %broadcast_in_dim3A_277, %broadcast_in_dim3A_299 in 1 : vector<256x1xi32>, vector<256x1xi32>, vector<256x1xi32>, vector<256x1xi32>, vector<256x1xi32> -> vector<256x5xi32>
      scf.yield %concatenate3A_303, %concatenate3A_304 : vector<256x5xf32>, vector<256x5xi32>
    }
    %swap3A = arith.constant 0 : index
    %swap3A_76 = arith.constant 0 : index
    %swap3A_77 = vector.load %arg7[%swap3A, %swap3A_76] : memref<256x5xi32, #tpu.memory_space<vmem>>, vector<256x5xi32>
    tpu.vector_store %arg7[%swap3A, %swap3A_76], %while3A_75#1 {strides = array<i32>} : memref<256x5xi32, #tpu.memory_space<vmem>>, vector<256x5xi32>,
    return
  }
  func.func @transform_0(%arg0: i32, %arg1: memref<196xi32, #tpu.memory_space<smem>>, %arg2: memref<196xi32, #tpu.memory_space<smem>>) -> (i32, i32) {
    %c0_i32 = arith.constant 0 : i32
    %c0_i32_0 = arith.constant 0 : i32
    return %arg0, %c0_i32 : i32, i32
  }
  func.func @transform_1(%arg0: i32, %arg1: memref<196xi32, #tpu.memory_space<smem>>, %arg2: memref<196xi32, #tpu.memory_space<smem>>) -> (i32, i32) {
    %c0_i32 = arith.constant 0 : i32
    %c0_i32_0 = arith.constant 0 : i32
    return %arg0, %c0_i32 : i32, i32
  }
  func.func @transform_2(%arg0: i32, %arg1: memref<196xi32, #tpu.memory_space<smem>>, %arg2: memref<196xi32, #tpu.memory_space<smem>>) -> (i32, i32, i32) {
    %c0_i32 = arith.constant 0 : i32
    %c0_i32_0 = arith.constant 0 : i32
    %c0_i32_1 = arith.constant 0 : i32
    %c0_i32_2 = arith.constant 0 : i32
    return %c0_i32, %c0_i32_0, %c0_i32_1 : i32, i32, i32
  }
  func.func @transform_3(%arg0: i32, %arg1: memref<196xi32, #tpu.memory_space<smem>>, %arg2: memref<196xi32, #tpu.memory_space<smem>>) -> (i32, i32) {
    %c0_i32 = arith.constant 0 : i32
    %c0_i32_0 = arith.constant 0 : i32
    %c0_i32_1 = arith.constant 0 : i32
    return %c0_i32, %c0_i32_0 : i32, i32
  }
  func.func @transform_4(%arg0: i32, %arg1: memref<196xi32, #tpu.memory_space<smem>>, %arg2: memref<196xi32, #tpu.memory_space<smem>>) -> (i32, i32) {
    %c0_i32 = arith.constant 0 : i32
    %c0_i32_0 = arith.constant 0 : i32
    return %arg0, %c0_i32 : i32, i32
  }
}

module attributes {stable_mosaic.version = 14 : i64} {
  func.func @_embed_kernel(%arg0: i32, %arg1: memref<1x1x512xi32, #tpu.memory_space<vmem>>, %arg2: memref<64x128xf32, #tpu.memory_space<vmem>>, %arg3: memref<1x64x512xf32, #tpu.memory_space<vmem>>, %arg4: memref<512x128xf32, #tpu.memory_space<vmem>>) attributes {dimension_semantics = [#tpu.dimension_semantics<arbitrary>], iteration_bounds = array<i64: 98>, scalar_prefetch = 0 : i64, scratch_operands = 0 : i64, tpu.core_type = #tpu.core_type<tc>, window_params = [{transform_indices = @transform_0, window_bounds = array<i64: 1, 1, 512>}, {pipeline_mode = #tpu.pipeline_mode<synchronous>, transform_indices = @transform_1, window_bounds = array<i64: 64, 128>}, {transform_indices = @transform_2, window_bounds = array<i64: 1, 64, 512>}, {transform_indices = @transform_3, window_bounds = array<i64: 512, 128>}]} {
    %get3A = arith.constant 0 : index
    %get3A_0 = arith.constant 0 : index
    %get3A_1 = arith.constant 0 : index
    %get3A_2 = vector.load %arg1[%get3A, %get3A_0, %get3A_1] : memref<1x1x512xi32, #tpu.memory_space<vmem>>, vector<1x1x512xi32>
    %get3A_3 = vector.shape_cast %get3A_2 : vector<1x1x512xi32> to vector<1x512xi32>
    %iota3A = tpu.iota {dimensions = array<i32: 0>} : vector<128x512xi32>
    %eq3A = vector.broadcast %get3A_3 : vector<1x512xi32> to vector<128x512xi32>
    %eq3A_4 = arith.cmpi eq, %eq3A, %iota3A : vector<128x512xi32>
    %convert_element_type3A = arith.extui %eq3A_4 : vector<128x512xi1> to vector<128x512xi32>
    %convert_element_type3A_5 = arith.sitofp %convert_element_type3A : vector<128x512xi32> to vector<128x512xf32>
    %get3A_6 = arith.constant 0 : index
    %get3A_7 = arith.constant 0 : index
    %get3A_8 = vector.load %arg2[%get3A_6, %get3A_7] : memref<64x128xf32, #tpu.memory_space<vmem>>, vector<64x128xf32>
    %dot_general3A = arith.constant dense<0.000000e+00> : vector<64x512xf32>
    %dot_general3A_9 = tpu.matmul %get3A_8, %convert_element_type3A_5, %dot_general3A {dimension_numbers = #tpu.dot_dimension_numbers<[1], [0], [0], [1], [0, 0, 1, 1], [], []>, transpose_lhs_hint = false} : vector<64x128xf32>, vector<128x512xf32>, vector<64x512xf32> -> vector<64x512xf32>
    %swap3A = arith.constant 0 : index
    %swap3A_10 = arith.constant 0 : index
    %swap3A_11 = arith.constant 0 : index
    %swap3A_12 = vector.load %arg3[%swap3A, %swap3A_10, %swap3A_11] : memref<1x64x512xf32, #tpu.memory_space<vmem>>, vector<1x64x512xf32>
    %swap3A_13 = vector.shape_cast %swap3A_12 : vector<1x64x512xf32> to vector<64x512xf32>
    %swap3A_14 = vector.shape_cast %dot_general3A_9 : vector<64x512xf32> to vector<1x64x512xf32>
    tpu.vector_store %arg3[%swap3A, %swap3A_10, %swap3A_11], %swap3A_14 {strides = array<i32>} : memref<1x64x512xf32, #tpu.memory_space<vmem>>, vector<1x64x512xf32>,
    %transpose3A = tpu.transpose %dot_general3A_9, [1, 0] : vector<64x512xf32> -> vector<512x64xf32>
    %swap3A_15 = arith.constant 0 : index
    %swap3A_16 = arith.constant 0 : index
    %swap3A_17 = vector.load %arg4[%swap3A_15, %swap3A_16] : memref<512x128xf32, #tpu.memory_space<vmem>>, vector<512x64xf32>
    tpu.vector_store %arg4[%swap3A_15, %swap3A_16], %transpose3A {strides = array<i32>} : memref<512x128xf32, #tpu.memory_space<vmem>>, vector<512x64xf32>,
    return
  }
  func.func @transform_0(%arg0: i32) -> (i32, i32, i32) {
    %c0_i32 = arith.constant 0 : i32
    %c0_i32_0 = arith.constant 0 : i32
    %c0_i32_1 = arith.constant 0 : i32
    return %arg0, %c0_i32, %c0_i32_0 : i32, i32, i32
  }
  func.func @transform_1(%arg0: i32) -> (i32, i32) {
    %c0_i32 = arith.constant 0 : i32
    %c0_i32_0 = arith.constant 0 : i32
    %c0_i32_1 = arith.constant 0 : i32
    return %c0_i32, %c0_i32_0 : i32, i32
  }
  func.func @transform_2(%arg0: i32) -> (i32, i32, i32) {
    %c0_i32 = arith.constant 0 : i32
    %c0_i32_0 = arith.constant 0 : i32
    %c0_i32_1 = arith.constant 0 : i32
    return %arg0, %c0_i32, %c0_i32_0 : i32, i32, i32
  }
  func.func @transform_3(%arg0: i32) -> (i32, i32) {
    %c0_i32 = arith.constant 0 : i32
    %c0_i32_0 = arith.constant 0 : i32
    return %arg0, %c0_i32 : i32, i32
  }
}

module attributes {stable_mosaic.version = 14 : i64} {
  func.func @_gat_sc_kernel(%arg0: i32, %arg1: memref<1x64x512xf32, #tpu.memory_space<vmem>>, %arg2: memref<5x1x512x128xf32, #tpu.memory_space<vmem>>, %arg3: memref<256x64xf32, #tpu.memory_space<vmem>>, %arg4: memref<256x1xf32, #tpu.memory_space<vmem>>, %arg5: memref<256x64xf32, #tpu.memory_space<vmem>>, %arg6: memref<256x1xf32, #tpu.memory_space<vmem>>, %arg7: memref<8x256xf32, #tpu.memory_space<vmem>>, %arg8: memref<64x1xf32, #tpu.memory_space<vmem>>, %arg9: memref<1x64x512xf32, #tpu.memory_space<vmem>>, %arg10: memref<512x128xf32, #tpu.memory_space<vmem>>) attributes {dimension_semantics = [#tpu.dimension_semantics<arbitrary>], iteration_bounds = array<i64: 98>, scalar_prefetch = 0 : i64, scratch_operands = 0 : i64, tpu.core_type = #tpu.core_type<tc>, window_params = [{transform_indices = @transform_0, window_bounds = array<i64: 1, 64, 512>}, {transform_indices = @transform_1, window_bounds = array<i64: 5, 1, 512, 128>}, {pipeline_mode = #tpu.pipeline_mode<synchronous>, transform_indices = @transform_2, window_bounds = array<i64: 256, 64>}, {pipeline_mode = #tpu.pipeline_mode<synchronous>, transform_indices = @transform_3, window_bounds = array<i64: 256, 1>}, {pipeline_mode = #tpu.pipeline_mode<synchronous>, transform_indices = @transform_4, window_bounds = array<i64: 256, 64>}, {pipeline_mode = #tpu.pipeline_mode<synchronous>, transform_indices = @transform_5, window_bounds = array<i64: 256, 1>}, {pipeline_mode = #tpu.pipeline_mode<synchronous>, transform_indices = @transform_6, window_bounds = array<i64: 8, 256>}, {pipeline_mode = #tpu.pipeline_mode<synchronous>, transform_indices = @transform_7, window_bounds = array<i64: 64, 1>}, {transform_indices = @transform_8, window_bounds = array<i64: 1, 64, 512>}, {transform_indices = @transform_9, window_bounds = array<i64: 512, 128>}]} {
    %get3A = arith.constant 0 : index
    %get3A_0 = arith.constant 0 : index
    %get3A_1 = arith.constant 0 : index
    %get3A_2 = vector.load %arg1[%get3A, %get3A_0, %get3A_1] : memref<1x64x512xf32, #tpu.memory_space<vmem>>, vector<1x64x512xf32>
    %get3A_3 = vector.shape_cast %get3A_2 : vector<1x64x512xf32> to vector<64x512xf32>
    %get3A_4 = arith.constant 0 : index
    %get3A_5 = arith.constant 0 : index
    %get3A_6 = vector.load %arg5[%get3A_4, %get3A_5] : memref<256x64xf32, #tpu.memory_space<vmem>>, vector<256x64xf32>
    %dot_general3A = arith.constant dense<0.000000e+00> : vector<256x512xf32>
    %dot_general3A_7 = tpu.matmul %get3A_6, %get3A_3, %dot_general3A {dimension_numbers = #tpu.dot_dimension_numbers<[1], [0], [0], [1], [0, 0, 1, 1], [], []>, transpose_lhs_hint = false} : vector<256x64xf32>, vector<64x512xf32>, vector<256x512xf32> -> vector<256x512xf32>
    %get3A_8 = arith.constant 0 : index
    %get3A_9 = arith.constant 0 : index
    %get3A_10 = vector.load %arg6[%get3A_8, %get3A_9] : memref<256x1xf32, #tpu.memory_space<vmem>>, vector<256x1xf32>
    %add3A = vector.broadcast %get3A_10 : vector<256x1xf32> to vector<256x512xf32>
    %add3A_11 = arith.addf %dot_general3A_7, %add3A : vector<256x512xf32>
    %get3A_12 = arith.constant 0 : index
    %get3A_13 = arith.constant 0 : index
    %get3A_14 = vector.load %arg7[%get3A_12, %get3A_13] : memref<8x256xf32, #tpu.memory_space<vmem>>, vector<8x256xf32>
    %get3A_15 = arith.constant 0 : index
    %get3A_16 = arith.constant 0 : index
    %get3A_17 = arith.constant 0 : index
    %get3A_18 = arith.constant 0 : index
    %get3A_19 = vector.load %arg2[%get3A_15, %get3A_16, %get3A_17, %get3A_18] : memref<5x1x512x128xf32, #tpu.memory_space<vmem>>, vector<1x1x512x128xf32>
    %get3A_20 = vector.shape_cast %get3A_19 : vector<1x1x512x128xf32> to vector<512x128xf32>
    %slice3A = vector.extract_strided_slice %get3A_20 {offsets = [0, 0], sizes = [512, 64], strides = [1, 1]} : vector<512x128xf32> to vector<512x64xf32>
    %get3A_21 = arith.constant 0 : index
    %get3A_22 = arith.constant 0 : index
    %get3A_23 = vector.load %arg3[%get3A_21, %get3A_22] : memref<256x64xf32, #tpu.memory_space<vmem>>, vector<256x64xf32>
    %dot_general3A_24 = arith.constant dense<0.000000e+00> : vector<256x512xf32>
    %dot_general3A_25 = tpu.matmul %get3A_23, %slice3A, %dot_general3A_24 {dimension_numbers = #tpu.dot_dimension_numbers<[1], [1], [0], [0], [0, 0, 1, 0], [], []>, transpose_lhs_hint = false} : vector<256x64xf32>, vector<512x64xf32>, vector<256x512xf32> -> vector<256x512xf32>
    %get3A_26 = arith.constant 0 : index
    %get3A_27 = arith.constant 0 : index
    %get3A_28 = vector.load %arg4[%get3A_26, %get3A_27] : memref<256x1xf32, #tpu.memory_space<vmem>>, vector<256x1xf32>
    %add3A_29 = vector.broadcast %get3A_28 : vector<256x1xf32> to vector<256x512xf32>
    %add3A_30 = arith.addf %dot_general3A_25, %add3A_29 : vector<256x512xf32>
    %add3A_31 = arith.addf %add3A_11, %add3A_30 : vector<256x512xf32>
    %ge3A = arith.constant 0.000000e+00 : f32
    %ge3A_32 = vector.broadcast %ge3A : f32 to vector<256x512xf32>
    %ge3A_33 = arith.cmpf oge, %add3A_31, %ge3A_32 : vector<256x512xf32>
    %mul3A = arith.constant 2.000000e-01 : f32
    %mul3A_34 = vector.broadcast %mul3A : f32 to vector<256x512xf32>
    %mul3A_35 = arith.mulf %mul3A_34, %add3A_31 : vector<256x512xf32>
    %select_n3A = arith.select %ge3A_33, %add3A_31, %mul3A_35 : vector<256x512xi1>, vector<256x512xf32>
    %dot_general3A_36 = arith.constant dense<0.000000e+00> : vector<8x512xf32>
    %dot_general3A_37 = tpu.matmul %get3A_14, %select_n3A, %dot_general3A_36 {dimension_numbers = #tpu.dot_dimension_numbers<[1], [0], [0], [1], [0, 0, 1, 1], [], []>, transpose_lhs_hint = false} : vector<8x256xf32>, vector<256x512xf32>, vector<8x512xf32> -> vector<8x512xf32>
    %get3A_38 = arith.constant 1 : index
    %get3A_39 = arith.constant 0 : index
    %get3A_40 = arith.constant 0 : index
    %get3A_41 = arith.constant 0 : index
    %get3A_42 = vector.load %arg2[%get3A_38, %get3A_39, %get3A_40, %get3A_41] : memref<5x1x512x128xf32, #tpu.memory_space<vmem>>, vector<1x1x512x128xf32>
    %get3A_43 = vector.shape_cast %get3A_42 : vector<1x1x512x128xf32> to vector<512x128xf32>
    %slice3A_44 = vector.extract_strided_slice %get3A_43 {offsets = [0, 0], sizes = [512, 64], strides = [1, 1]} : vector<512x128xf32> to vector<512x64xf32>
    %get3A_45 = arith.constant 0 : index
    %get3A_46 = arith.constant 0 : index
    %get3A_47 = vector.load %arg3[%get3A_45, %get3A_46] : memref<256x64xf32, #tpu.memory_space<vmem>>, vector<256x64xf32>
    %dot_general3A_48 = arith.constant dense<0.000000e+00> : vector<256x512xf32>
    %dot_general3A_49 = tpu.matmul %get3A_47, %slice3A_44, %dot_general3A_48 {dimension_numbers = #tpu.dot_dimension_numbers<[1], [1], [0], [0], [0, 0, 1, 0], [], []>, transpose_lhs_hint = false} : vector<256x64xf32>, vector<512x64xf32>, vector<256x512xf32> -> vector<256x512xf32>
    %get3A_50 = arith.constant 0 : index
    %get3A_51 = arith.constant 0 : index
    %get3A_52 = vector.load %arg4[%get3A_50, %get3A_51] : memref<256x1xf32, #tpu.memory_space<vmem>>, vector<256x1xf32>
    %add3A_53 = vector.broadcast %get3A_52 : vector<256x1xf32> to vector<256x512xf32>
    %add3A_54 = arith.addf %dot_general3A_49, %add3A_53 : vector<256x512xf32>
    %add3A_55 = arith.addf %add3A_11, %add3A_54 : vector<256x512xf32>
    %ge3A_56 = arith.constant 0.000000e+00 : f32
    %ge3A_57 = vector.broadcast %ge3A_56 : f32 to vector<256x512xf32>
    %ge3A_58 = arith.cmpf oge, %add3A_55, %ge3A_57 : vector<256x512xf32>
    %mul3A_59 = arith.constant 2.000000e-01 : f32
    %mul3A_60 = vector.broadcast %mul3A_59 : f32 to vector<256x512xf32>
    %mul3A_61 = arith.mulf %mul3A_60, %add3A_55 : vector<256x512xf32>
    %select_n3A_62 = arith.select %ge3A_58, %add3A_55, %mul3A_61 : vector<256x512xi1>, vector<256x512xf32>
    %dot_general3A_63 = arith.constant dense<0.000000e+00> : vector<8x512xf32>
    %dot_general3A_64 = tpu.matmul %get3A_14, %select_n3A_62, %dot_general3A_63 {dimension_numbers = #tpu.dot_dimension_numbers<[1], [0], [0], [1], [0, 0, 1, 1], [], []>, transpose_lhs_hint = false} : vector<8x256xf32>, vector<256x512xf32>, vector<8x512xf32> -> vector<8x512xf32>
    %get3A_65 = arith.constant 2 : index
    %get3A_66 = arith.constant 0 : index
    %get3A_67 = arith.constant 0 : index
    %get3A_68 = arith.constant 0 : index
    %get3A_69 = vector.load %arg2[%get3A_65, %get3A_66, %get3A_67, %get3A_68] : memref<5x1x512x128xf32, #tpu.memory_space<vmem>>, vector<1x1x512x128xf32>
    %get3A_70 = vector.shape_cast %get3A_69 : vector<1x1x512x128xf32> to vector<512x128xf32>
    %slice3A_71 = vector.extract_strided_slice %get3A_70 {offsets = [0, 0], sizes = [512, 64], strides = [1, 1]} : vector<512x128xf32> to vector<512x64xf32>
    %get3A_72 = arith.constant 0 : index
    %get3A_73 = arith.constant 0 : index
    %get3A_74 = vector.load %arg3[%get3A_72, %get3A_73] : memref<256x64xf32, #tpu.memory_space<vmem>>, vector<256x64xf32>
    %dot_general3A_75 = arith.constant dense<0.000000e+00> : vector<256x512xf32>
    %dot_general3A_76 = tpu.matmul %get3A_74, %slice3A_71, %dot_general3A_75 {dimension_numbers = #tpu.dot_dimension_numbers<[1], [1], [0], [0], [0, 0, 1, 0], [], []>, transpose_lhs_hint = false} : vector<256x64xf32>, vector<512x64xf32>, vector<256x512xf32> -> vector<256x512xf32>
    %get3A_77 = arith.constant 0 : index
    %get3A_78 = arith.constant 0 : index
    %get3A_79 = vector.load %arg4[%get3A_77, %get3A_78] : memref<256x1xf32, #tpu.memory_space<vmem>>, vector<256x1xf32>
    %add3A_80 = vector.broadcast %get3A_79 : vector<256x1xf32> to vector<256x512xf32>
    %add3A_81 = arith.addf %dot_general3A_76, %add3A_80 : vector<256x512xf32>
    %add3A_82 = arith.addf %add3A_11, %add3A_81 : vector<256x512xf32>
    %ge3A_83 = arith.constant 0.000000e+00 : f32
    %ge3A_84 = vector.broadcast %ge3A_83 : f32 to vector<256x512xf32>
    %ge3A_85 = arith.cmpf oge, %add3A_82, %ge3A_84 : vector<256x512xf32>
    %mul3A_86 = arith.constant 2.000000e-01 : f32
    %mul3A_87 = vector.broadcast %mul3A_86 : f32 to vector<256x512xf32>
    %mul3A_88 = arith.mulf %mul3A_87, %add3A_82 : vector<256x512xf32>
    %select_n3A_89 = arith.select %ge3A_85, %add3A_82, %mul3A_88 : vector<256x512xi1>, vector<256x512xf32>
    %dot_general3A_90 = arith.constant dense<0.000000e+00> : vector<8x512xf32>
    %dot_general3A_91 = tpu.matmul %get3A_14, %select_n3A_89, %dot_general3A_90 {dimension_numbers = #tpu.dot_dimension_numbers<[1], [0], [0], [1], [0, 0, 1, 1], [], []>, transpose_lhs_hint = false} : vector<8x256xf32>, vector<256x512xf32>, vector<8x512xf32> -> vector<8x512xf32>
    %get3A_92 = arith.constant 3 : index
    %get3A_93 = arith.constant 0 : index
    %get3A_94 = arith.constant 0 : index
    %get3A_95 = arith.constant 0 : index
    %get3A_96 = vector.load %arg2[%get3A_92, %get3A_93, %get3A_94, %get3A_95] : memref<5x1x512x128xf32, #tpu.memory_space<vmem>>, vector<1x1x512x128xf32>
    %get3A_97 = vector.shape_cast %get3A_96 : vector<1x1x512x128xf32> to vector<512x128xf32>
    %slice3A_98 = vector.extract_strided_slice %get3A_97 {offsets = [0, 0], sizes = [512, 64], strides = [1, 1]} : vector<512x128xf32> to vector<512x64xf32>
    %get3A_99 = arith.constant 0 : index
    %get3A_100 = arith.constant 0 : index
    %get3A_101 = vector.load %arg3[%get3A_99, %get3A_100] : memref<256x64xf32, #tpu.memory_space<vmem>>, vector<256x64xf32>
    %dot_general3A_102 = arith.constant dense<0.000000e+00> : vector<256x512xf32>
    %dot_general3A_103 = tpu.matmul %get3A_101, %slice3A_98, %dot_general3A_102 {dimension_numbers = #tpu.dot_dimension_numbers<[1], [1], [0], [0], [0, 0, 1, 0], [], []>, transpose_lhs_hint = false} : vector<256x64xf32>, vector<512x64xf32>, vector<256x512xf32> -> vector<256x512xf32>
    %get3A_104 = arith.constant 0 : index
    %get3A_105 = arith.constant 0 : index
    %get3A_106 = vector.load %arg4[%get3A_104, %get3A_105] : memref<256x1xf32, #tpu.memory_space<vmem>>, vector<256x1xf32>
    %add3A_107 = vector.broadcast %get3A_106 : vector<256x1xf32> to vector<256x512xf32>
    %add3A_108 = arith.addf %dot_general3A_103, %add3A_107 : vector<256x512xf32>
    %add3A_109 = arith.addf %add3A_11, %add3A_108 : vector<256x512xf32>
    %ge3A_110 = arith.constant 0.000000e+00 : f32
    %ge3A_111 = vector.broadcast %ge3A_110 : f32 to vector<256x512xf32>
    %ge3A_112 = arith.cmpf oge, %add3A_109, %ge3A_111 : vector<256x512xf32>
    %mul3A_113 = arith.constant 2.000000e-01 : f32
    %mul3A_114 = vector.broadcast %mul3A_113 : f32 to vector<256x512xf32>
    %mul3A_115 = arith.mulf %mul3A_114, %add3A_109 : vector<256x512xf32>
    %select_n3A_116 = arith.select %ge3A_112, %add3A_109, %mul3A_115 : vector<256x512xi1>, vector<256x512xf32>
    %dot_general3A_117 = arith.constant dense<0.000000e+00> : vector<8x512xf32>
    %dot_general3A_118 = tpu.matmul %get3A_14, %select_n3A_116, %dot_general3A_117 {dimension_numbers = #tpu.dot_dimension_numbers<[1], [0], [0], [1], [0, 0, 1, 1], [], []>, transpose_lhs_hint = false} : vector<8x256xf32>, vector<256x512xf32>, vector<8x512xf32> -> vector<8x512xf32>
    %get3A_119 = arith.constant 4 : index
    %get3A_120 = arith.constant 0 : index
    %get3A_121 = arith.constant 0 : index
    %get3A_122 = arith.constant 0 : index
    %get3A_123 = vector.load %arg2[%get3A_119, %get3A_120, %get3A_121, %get3A_122] : memref<5x1x512x128xf32, #tpu.memory_space<vmem>>, vector<1x1x512x128xf32>
    %get3A_124 = vector.shape_cast %get3A_123 : vector<1x1x512x128xf32> to vector<512x128xf32>
    %slice3A_125 = vector.extract_strided_slice %get3A_124 {offsets = [0, 0], sizes = [512, 64], strides = [1, 1]} : vector<512x128xf32> to vector<512x64xf32>
    %get3A_126 = arith.constant 0 : index
    %get3A_127 = arith.constant 0 : index
    %get3A_128 = vector.load %arg3[%get3A_126, %get3A_127] : memref<256x64xf32, #tpu.memory_space<vmem>>, vector<256x64xf32>
    %dot_general3A_129 = arith.constant dense<0.000000e+00> : vector<256x512xf32>
    %dot_general3A_130 = tpu.matmul %get3A_128, %slice3A_125, %dot_general3A_129 {dimension_numbers = #tpu.dot_dimension_numbers<[1], [1], [0], [0], [0, 0, 1, 0], [], []>, transpose_lhs_hint = false} : vector<256x64xf32>, vector<512x64xf32>, vector<256x512xf32> -> vector<256x512xf32>
    %get3A_131 = arith.constant 0 : index
    %get3A_132 = arith.constant 0 : index
    %get3A_133 = vector.load %arg4[%get3A_131, %get3A_132] : memref<256x1xf32, #tpu.memory_space<vmem>>, vector<256x1xf32>
    %add3A_134 = vector.broadcast %get3A_133 : vector<256x1xf32> to vector<256x512xf32>
    %add3A_135 = arith.addf %dot_general3A_130, %add3A_134 : vector<256x512xf32>
    %add3A_136 = arith.addf %add3A_11, %add3A_135 : vector<256x512xf32>
    %ge3A_137 = arith.constant 0.000000e+00 : f32
    %ge3A_138 = vector.broadcast %ge3A_137 : f32 to vector<256x512xf32>
    %ge3A_139 = arith.cmpf oge, %add3A_136, %ge3A_138 : vector<256x512xf32>
    %mul3A_140 = arith.constant 2.000000e-01 : f32
    %mul3A_141 = vector.broadcast %mul3A_140 : f32 to vector<256x512xf32>
    %mul3A_142 = arith.mulf %mul3A_141, %add3A_136 : vector<256x512xf32>
    %select_n3A_143 = arith.select %ge3A_139, %add3A_136, %mul3A_142 : vector<256x512xi1>, vector<256x512xf32>
    %dot_general3A_144 = arith.constant dense<0.000000e+00> : vector<8x512xf32>
    %dot_general3A_145 = tpu.matmul %get3A_14, %select_n3A_143, %dot_general3A_144 {dimension_numbers = #tpu.dot_dimension_numbers<[1], [0], [0], [1], [0, 0, 1, 1], [], []>, transpose_lhs_hint = false} : vector<8x256xf32>, vector<256x512xf32>, vector<8x512xf32> -> vector<8x512xf32>
    %broadcast_in_dim3A = arith.constant 0.000000e+00 : f32
    %broadcast_in_dim3A_146 = vector.broadcast %broadcast_in_dim3A : f32 to vector<64x512xf32>
    %slice3A_147 = vector.extract_strided_slice %dot_general3A_37 {offsets = [0, 0], sizes = [1, 512], strides = [1, 1]} : vector<8x512xf32> to vector<1x512xf32>
    %slice3A_148 = vector.extract_strided_slice %dot_general3A_64 {offsets = [0, 0], sizes = [1, 512], strides = [1, 1]} : vector<8x512xf32> to vector<1x512xf32>
    %slice3A_149 = vector.extract_strided_slice %dot_general3A_91 {offsets = [0, 0], sizes = [1, 512], strides = [1, 1]} : vector<8x512xf32> to vector<1x512xf32>
    %slice3A_150 = vector.extract_strided_slice %dot_general3A_118 {offsets = [0, 0], sizes = [1, 512], strides = [1, 1]} : vector<8x512xf32> to vector<1x512xf32>
    %slice3A_151 = vector.extract_strided_slice %dot_general3A_145 {offsets = [0, 0], sizes = [1, 512], strides = [1, 1]} : vector<8x512xf32> to vector<1x512xf32>
    %max3A = arith.maximumf %slice3A_147, %slice3A_148 : vector<1x512xf32>
    %max3A_152 = arith.maximumf %max3A, %slice3A_149 : vector<1x512xf32>
    %max3A_153 = arith.maximumf %max3A_152, %slice3A_150 : vector<1x512xf32>
    %max3A_154 = arith.maximumf %max3A_153, %slice3A_151 : vector<1x512xf32>
    %sub3A = arith.subf %slice3A_147, %max3A_154 : vector<1x512xf32>
    %exp3A = math.exp %sub3A : vector<1x512xf32>
    %sub3A_155 = arith.subf %slice3A_148, %max3A_154 : vector<1x512xf32>
    %exp3A_156 = math.exp %sub3A_155 : vector<1x512xf32>
    %sub3A_157 = arith.subf %slice3A_149, %max3A_154 : vector<1x512xf32>
    %exp3A_158 = math.exp %sub3A_157 : vector<1x512xf32>
    %sub3A_159 = arith.subf %slice3A_150, %max3A_154 : vector<1x512xf32>
    %exp3A_160 = math.exp %sub3A_159 : vector<1x512xf32>
    %sub3A_161 = arith.subf %slice3A_151, %max3A_154 : vector<1x512xf32>
    %exp3A_162 = math.exp %sub3A_161 : vector<1x512xf32>
    %add3A_163 = arith.addf %exp3A, %exp3A_156 : vector<1x512xf32>
    %add3A_164 = arith.addf %add3A_163, %exp3A_158 : vector<1x512xf32>
    %add3A_165 = arith.addf %add3A_164, %exp3A_160 : vector<1x512xf32>
    %add3A_166 = arith.addf %add3A_165, %exp3A_162 : vector<1x512xf32>
    %add3A_167 = arith.constant 1.000000e-16 : f32
    %add3A_168 = vector.broadcast %add3A_167 : f32 to vector<1x512xf32>
    %add3A_169 = arith.addf %add3A_166, %add3A_168 : vector<1x512xf32>
    %div3A = arith.divf %exp3A, %add3A_169 : vector<1x512xf32>
    %slice3A_170 = vector.extract_strided_slice %add3A_30 {offsets = [0, 0], sizes = [64, 512], strides = [1, 1]} : vector<256x512xf32> to vector<64x512xf32>
    %mul3A_171 = vector.broadcast %div3A : vector<1x512xf32> to vector<64x512xf32>
    %mul3A_172 = arith.mulf %mul3A_171, %slice3A_170 : vector<64x512xf32>
    %add3A_173 = arith.addf %broadcast_in_dim3A_146, %mul3A_172 : vector<64x512xf32>
    %div3A_174 = arith.divf %exp3A_156, %add3A_169 : vector<1x512xf32>
    %slice3A_175 = vector.extract_strided_slice %add3A_54 {offsets = [0, 0], sizes = [64, 512], strides = [1, 1]} : vector<256x512xf32> to vector<64x512xf32>
    %mul3A_176 = vector.broadcast %div3A_174 : vector<1x512xf32> to vector<64x512xf32>
    %mul3A_177 = arith.mulf %mul3A_176, %slice3A_175 : vector<64x512xf32>
    %add3A_178 = arith.addf %add3A_173, %mul3A_177 : vector<64x512xf32>
    %div3A_179 = arith.divf %exp3A_158, %add3A_169 : vector<1x512xf32>
    %slice3A_180 = vector.extract_strided_slice %add3A_81 {offsets = [0, 0], sizes = [64, 512], strides = [1, 1]} : vector<256x512xf32> to vector<64x512xf32>
    %mul3A_181 = vector.broadcast %div3A_179 : vector<1x512xf32> to vector<64x512xf32>
    %mul3A_182 = arith.mulf %mul3A_181, %slice3A_180 : vector<64x512xf32>
    %add3A_183 = arith.addf %add3A_178, %mul3A_182 : vector<64x512xf32>
    %div3A_184 = arith.divf %exp3A_160, %add3A_169 : vector<1x512xf32>
    %slice3A_185 = vector.extract_strided_slice %add3A_108 {offsets = [0, 0], sizes = [64, 512], strides = [1, 1]} : vector<256x512xf32> to vector<64x512xf32>
    %mul3A_186 = vector.broadcast %div3A_184 : vector<1x512xf32> to vector<64x512xf32>
    %mul3A_187 = arith.mulf %mul3A_186, %slice3A_185 : vector<64x512xf32>
    %add3A_188 = arith.addf %add3A_183, %mul3A_187 : vector<64x512xf32>
    %div3A_189 = arith.divf %exp3A_162, %add3A_169 : vector<1x512xf32>
    %slice3A_190 = vector.extract_strided_slice %add3A_135 {offsets = [0, 0], sizes = [64, 512], strides = [1, 1]} : vector<256x512xf32> to vector<64x512xf32>
    %mul3A_191 = vector.broadcast %div3A_189 : vector<1x512xf32> to vector<64x512xf32>
    %mul3A_192 = arith.mulf %mul3A_191, %slice3A_190 : vector<64x512xf32>
    %add3A_193 = arith.addf %add3A_188, %mul3A_192 : vector<64x512xf32>
    %slice3A_194 = vector.extract_strided_slice %dot_general3A_37 {offsets = [1, 0], sizes = [1, 512], strides = [1, 1]} : vector<8x512xf32> to vector<1x512xf32>
    %slice3A_195 = vector.extract_strided_slice %dot_general3A_64 {offsets = [1, 0], sizes = [1, 512], strides = [1, 1]} : vector<8x512xf32> to vector<1x512xf32>
    %slice3A_196 = vector.extract_strided_slice %dot_general3A_91 {offsets = [1, 0], sizes = [1, 512], strides = [1, 1]} : vector<8x512xf32> to vector<1x512xf32>
    %slice3A_197 = vector.extract_strided_slice %dot_general3A_118 {offsets = [1, 0], sizes = [1, 512], strides = [1, 1]} : vector<8x512xf32> to vector<1x512xf32>
    %slice3A_198 = vector.extract_strided_slice %dot_general3A_145 {offsets = [1, 0], sizes = [1, 512], strides = [1, 1]} : vector<8x512xf32> to vector<1x512xf32>
    %max3A_199 = arith.maximumf %slice3A_194, %slice3A_195 : vector<1x512xf32>
    %max3A_200 = arith.maximumf %max3A_199, %slice3A_196 : vector<1x512xf32>
    %max3A_201 = arith.maximumf %max3A_200, %slice3A_197 : vector<1x512xf32>
    %max3A_202 = arith.maximumf %max3A_201, %slice3A_198 : vector<1x512xf32>
    %sub3A_203 = arith.subf %slice3A_194, %max3A_202 : vector<1x512xf32>
    %exp3A_204 = math.exp %sub3A_203 : vector<1x512xf32>
    %sub3A_205 = arith.subf %slice3A_195, %max3A_202 : vector<1x512xf32>
    %exp3A_206 = math.exp %sub3A_205 : vector<1x512xf32>
    %sub3A_207 = arith.subf %slice3A_196, %max3A_202 : vector<1x512xf32>
    %exp3A_208 = math.exp %sub3A_207 : vector<1x512xf32>
    %sub3A_209 = arith.subf %slice3A_197, %max3A_202 : vector<1x512xf32>
    %exp3A_210 = math.exp %sub3A_209 : vector<1x512xf32>
    %sub3A_211 = arith.subf %slice3A_198, %max3A_202 : vector<1x512xf32>
    %exp3A_212 = math.exp %sub3A_211 : vector<1x512xf32>
    %add3A_213 = arith.addf %exp3A_204, %exp3A_206 : vector<1x512xf32>
    %add3A_214 = arith.addf %add3A_213, %exp3A_208 : vector<1x512xf32>
    %add3A_215 = arith.addf %add3A_214, %exp3A_210 : vector<1x512xf32>
    %add3A_216 = arith.addf %add3A_215, %exp3A_212 : vector<1x512xf32>
    %add3A_217 = arith.constant 1.000000e-16 : f32
    %add3A_218 = vector.broadcast %add3A_217 : f32 to vector<1x512xf32>
    %add3A_219 = arith.addf %add3A_216, %add3A_218 : vector<1x512xf32>
    %div3A_220 = arith.divf %exp3A_204, %add3A_219 : vector<1x512xf32>
    %slice3A_221 = vector.extract_strided_slice %add3A_30 {offsets = [64, 0], sizes = [64, 512], strides = [1, 1]} : vector<256x512xf32> to vector<64x512xf32>
    %mul3A_222 = vector.broadcast %div3A_220 : vector<1x512xf32> to vector<64x512xf32>
    %mul3A_223 = arith.mulf %mul3A_222, %slice3A_221 : vector<64x512xf32>
    %add3A_224 = arith.addf %add3A_193, %mul3A_223 : vector<64x512xf32>
    %div3A_225 = arith.divf %exp3A_206, %add3A_219 : vector<1x512xf32>
    %slice3A_226 = vector.extract_strided_slice %add3A_54 {offsets = [64, 0], sizes = [64, 512], strides = [1, 1]} : vector<256x512xf32> to vector<64x512xf32>
    %mul3A_227 = vector.broadcast %div3A_225 : vector<1x512xf32> to vector<64x512xf32>
    %mul3A_228 = arith.mulf %mul3A_227, %slice3A_226 : vector<64x512xf32>
    %add3A_229 = arith.addf %add3A_224, %mul3A_228 : vector<64x512xf32>
    %div3A_230 = arith.divf %exp3A_208, %add3A_219 : vector<1x512xf32>
    %slice3A_231 = vector.extract_strided_slice %add3A_81 {offsets = [64, 0], sizes = [64, 512], strides = [1, 1]} : vector<256x512xf32> to vector<64x512xf32>
    %mul3A_232 = vector.broadcast %div3A_230 : vector<1x512xf32> to vector<64x512xf32>
    %mul3A_233 = arith.mulf %mul3A_232, %slice3A_231 : vector<64x512xf32>
    %add3A_234 = arith.addf %add3A_229, %mul3A_233 : vector<64x512xf32>
    %div3A_235 = arith.divf %exp3A_210, %add3A_219 : vector<1x512xf32>
    %slice3A_236 = vector.extract_strided_slice %add3A_108 {offsets = [64, 0], sizes = [64, 512], strides = [1, 1]} : vector<256x512xf32> to vector<64x512xf32>
    %mul3A_237 = vector.broadcast %div3A_235 : vector<1x512xf32> to vector<64x512xf32>
    %mul3A_238 = arith.mulf %mul3A_237, %slice3A_236 : vector<64x512xf32>
    %add3A_239 = arith.addf %add3A_234, %mul3A_238 : vector<64x512xf32>
    %div3A_240 = arith.divf %exp3A_212, %add3A_219 : vector<1x512xf32>
    %slice3A_241 = vector.extract_strided_slice %add3A_135 {offsets = [64, 0], sizes = [64, 512], strides = [1, 1]} : vector<256x512xf32> to vector<64x512xf32>
    %mul3A_242 = vector.broadcast %div3A_240 : vector<1x512xf32> to vector<64x512xf32>
    %mul3A_243 = arith.mulf %mul3A_242, %slice3A_241 : vector<64x512xf32>
    %add3A_244 = arith.addf %add3A_239, %mul3A_243 : vector<64x512xf32>
    %slice3A_245 = vector.extract_strided_slice %dot_general3A_37 {offsets = [2, 0], sizes = [1, 512], strides = [1, 1]} : vector<8x512xf32> to vector<1x512xf32>
    %slice3A_246 = vector.extract_strided_slice %dot_general3A_64 {offsets = [2, 0], sizes = [1, 512], strides = [1, 1]} : vector<8x512xf32> to vector<1x512xf32>
    %slice3A_247 = vector.extract_strided_slice %dot_general3A_91 {offsets = [2, 0], sizes = [1, 512], strides = [1, 1]} : vector<8x512xf32> to vector<1x512xf32>
    %slice3A_248 = vector.extract_strided_slice %dot_general3A_118 {offsets = [2, 0], sizes = [1, 512], strides = [1, 1]} : vector<8x512xf32> to vector<1x512xf32>
    %slice3A_249 = vector.extract_strided_slice %dot_general3A_145 {offsets = [2, 0], sizes = [1, 512], strides = [1, 1]} : vector<8x512xf32> to vector<1x512xf32>
    %max3A_250 = arith.maximumf %slice3A_245, %slice3A_246 : vector<1x512xf32>
    %max3A_251 = arith.maximumf %max3A_250, %slice3A_247 : vector<1x512xf32>
    %max3A_252 = arith.maximumf %max3A_251, %slice3A_248 : vector<1x512xf32>
    %max3A_253 = arith.maximumf %max3A_252, %slice3A_249 : vector<1x512xf32>
    %sub3A_254 = arith.subf %slice3A_245, %max3A_253 : vector<1x512xf32>
    %exp3A_255 = math.exp %sub3A_254 : vector<1x512xf32>
    %sub3A_256 = arith.subf %slice3A_246, %max3A_253 : vector<1x512xf32>
    %exp3A_257 = math.exp %sub3A_256 : vector<1x512xf32>
    %sub3A_258 = arith.subf %slice3A_247, %max3A_253 : vector<1x512xf32>
    %exp3A_259 = math.exp %sub3A_258 : vector<1x512xf32>
    %sub3A_260 = arith.subf %slice3A_248, %max3A_253 : vector<1x512xf32>
    %exp3A_261 = math.exp %sub3A_260 : vector<1x512xf32>
    %sub3A_262 = arith.subf %slice3A_249, %max3A_253 : vector<1x512xf32>
    %exp3A_263 = math.exp %sub3A_262 : vector<1x512xf32>
    %add3A_264 = arith.addf %exp3A_255, %exp3A_257 : vector<1x512xf32>
    %add3A_265 = arith.addf %add3A_264, %exp3A_259 : vector<1x512xf32>
    %add3A_266 = arith.addf %add3A_265, %exp3A_261 : vector<1x512xf32>
    %add3A_267 = arith.addf %add3A_266, %exp3A_263 : vector<1x512xf32>
    %add3A_268 = arith.constant 1.000000e-16 : f32
    %add3A_269 = vector.broadcast %add3A_268 : f32 to vector<1x512xf32>
    %add3A_270 = arith.addf %add3A_267, %add3A_269 : vector<1x512xf32>
    %div3A_271 = arith.divf %exp3A_255, %add3A_270 : vector<1x512xf32>
    %slice3A_272 = vector.extract_strided_slice %add3A_30 {offsets = [128, 0], sizes = [64, 512], strides = [1, 1]} : vector<256x512xf32> to vector<64x512xf32>
    %mul3A_273 = vector.broadcast %div3A_271 : vector<1x512xf32> to vector<64x512xf32>
    %mul3A_274 = arith.mulf %mul3A_273, %slice3A_272 : vector<64x512xf32>
    %add3A_275 = arith.addf %add3A_244, %mul3A_274 : vector<64x512xf32>
    %div3A_276 = arith.divf %exp3A_257, %add3A_270 : vector<1x512xf32>
    %slice3A_277 = vector.extract_strided_slice %add3A_54 {offsets = [128, 0], sizes = [64, 512], strides = [1, 1]} : vector<256x512xf32> to vector<64x512xf32>
    %mul3A_278 = vector.broadcast %div3A_276 : vector<1x512xf32> to vector<64x512xf32>
    %mul3A_279 = arith.mulf %mul3A_278, %slice3A_277 : vector<64x512xf32>
    %add3A_280 = arith.addf %add3A_275, %mul3A_279 : vector<64x512xf32>
    %div3A_281 = arith.divf %exp3A_259, %add3A_270 : vector<1x512xf32>
    %slice3A_282 = vector.extract_strided_slice %add3A_81 {offsets = [128, 0], sizes = [64, 512], strides = [1, 1]} : vector<256x512xf32> to vector<64x512xf32>
    %mul3A_283 = vector.broadcast %div3A_281 : vector<1x512xf32> to vector<64x512xf32>
    %mul3A_284 = arith.mulf %mul3A_283, %slice3A_282 : vector<64x512xf32>
    %add3A_285 = arith.addf %add3A_280, %mul3A_284 : vector<64x512xf32>
    %div3A_286 = arith.divf %exp3A_261, %add3A_270 : vector<1x512xf32>
    %slice3A_287 = vector.extract_strided_slice %add3A_108 {offsets = [128, 0], sizes = [64, 512], strides = [1, 1]} : vector<256x512xf32> to vector<64x512xf32>
    %mul3A_288 = vector.broadcast %div3A_286 : vector<1x512xf32> to vector<64x512xf32>
    %mul3A_289 = arith.mulf %mul3A_288, %slice3A_287 : vector<64x512xf32>
    %add3A_290 = arith.addf %add3A_285, %mul3A_289 : vector<64x512xf32>
    %div3A_291 = arith.divf %exp3A_263, %add3A_270 : vector<1x512xf32>
    %slice3A_292 = vector.extract_strided_slice %add3A_135 {offsets = [128, 0], sizes = [64, 512], strides = [1, 1]} : vector<256x512xf32> to vector<64x512xf32>
    %mul3A_293 = vector.broadcast %div3A_291 : vector<1x512xf32> to vector<64x512xf32>
    %mul3A_294 = arith.mulf %mul3A_293, %slice3A_292 : vector<64x512xf32>
    %add3A_295 = arith.addf %add3A_290, %mul3A_294 : vector<64x512xf32>
    %slice3A_296 = vector.extract_strided_slice %dot_general3A_37 {offsets = [3, 0], sizes = [1, 512], strides = [1, 1]} : vector<8x512xf32> to vector<1x512xf32>
    %slice3A_297 = vector.extract_strided_slice %dot_general3A_64 {offsets = [3, 0], sizes = [1, 512], strides = [1, 1]} : vector<8x512xf32> to vector<1x512xf32>
    %slice3A_298 = vector.extract_strided_slice %dot_general3A_91 {offsets = [3, 0], sizes = [1, 512], strides = [1, 1]} : vector<8x512xf32> to vector<1x512xf32>
    %slice3A_299 = vector.extract_strided_slice %dot_general3A_118 {offsets = [3, 0], sizes = [1, 512], strides = [1, 1]} : vector<8x512xf32> to vector<1x512xf32>
    %slice3A_300 = vector.extract_strided_slice %dot_general3A_145 {offsets = [3, 0], sizes = [1, 512], strides = [1, 1]} : vector<8x512xf32> to vector<1x512xf32>
    %max3A_301 = arith.maximumf %slice3A_296, %slice3A_297 : vector<1x512xf32>
    %max3A_302 = arith.maximumf %max3A_301, %slice3A_298 : vector<1x512xf32>
    %max3A_303 = arith.maximumf %max3A_302, %slice3A_299 : vector<1x512xf32>
    %max3A_304 = arith.maximumf %max3A_303, %slice3A_300 : vector<1x512xf32>
    %sub3A_305 = arith.subf %slice3A_296, %max3A_304 : vector<1x512xf32>
    %exp3A_306 = math.exp %sub3A_305 : vector<1x512xf32>
    %sub3A_307 = arith.subf %slice3A_297, %max3A_304 : vector<1x512xf32>
    %exp3A_308 = math.exp %sub3A_307 : vector<1x512xf32>
    %sub3A_309 = arith.subf %slice3A_298, %max3A_304 : vector<1x512xf32>
    %exp3A_310 = math.exp %sub3A_309 : vector<1x512xf32>
    %sub3A_311 = arith.subf %slice3A_299, %max3A_304 : vector<1x512xf32>
    %exp3A_312 = math.exp %sub3A_311 : vector<1x512xf32>
    %sub3A_313 = arith.subf %slice3A_300, %max3A_304 : vector<1x512xf32>
    %exp3A_314 = math.exp %sub3A_313 : vector<1x512xf32>
    %add3A_315 = arith.addf %exp3A_306, %exp3A_308 : vector<1x512xf32>
    %add3A_316 = arith.addf %add3A_315, %exp3A_310 : vector<1x512xf32>
    %add3A_317 = arith.addf %add3A_316, %exp3A_312 : vector<1x512xf32>
    %add3A_318 = arith.addf %add3A_317, %exp3A_314 : vector<1x512xf32>
    %add3A_319 = arith.constant 1.000000e-16 : f32
    %add3A_320 = vector.broadcast %add3A_319 : f32 to vector<1x512xf32>
    %add3A_321 = arith.addf %add3A_318, %add3A_320 : vector<1x512xf32>
    %div3A_322 = arith.divf %exp3A_306, %add3A_321 : vector<1x512xf32>
    %slice3A_323 = vector.extract_strided_slice %add3A_30 {offsets = [192, 0], sizes = [64, 512], strides = [1, 1]} : vector<256x512xf32> to vector<64x512xf32>
    %mul3A_324 = vector.broadcast %div3A_322 : vector<1x512xf32> to vector<64x512xf32>
    %mul3A_325 = arith.mulf %mul3A_324, %slice3A_323 : vector<64x512xf32>
    %add3A_326 = arith.addf %add3A_295, %mul3A_325 : vector<64x512xf32>
    %div3A_327 = arith.divf %exp3A_308, %add3A_321 : vector<1x512xf32>
    %slice3A_328 = vector.extract_strided_slice %add3A_54 {offsets = [192, 0], sizes = [64, 512], strides = [1, 1]} : vector<256x512xf32> to vector<64x512xf32>
    %mul3A_329 = vector.broadcast %div3A_327 : vector<1x512xf32> to vector<64x512xf32>
    %mul3A_330 = arith.mulf %mul3A_329, %slice3A_328 : vector<64x512xf32>
    %add3A_331 = arith.addf %add3A_326, %mul3A_330 : vector<64x512xf32>
    %div3A_332 = arith.divf %exp3A_310, %add3A_321 : vector<1x512xf32>
    %slice3A_333 = vector.extract_strided_slice %add3A_81 {offsets = [192, 0], sizes = [64, 512], strides = [1, 1]} : vector<256x512xf32> to vector<64x512xf32>
    %mul3A_334 = vector.broadcast %div3A_332 : vector<1x512xf32> to vector<64x512xf32>
    %mul3A_335 = arith.mulf %mul3A_334, %slice3A_333 : vector<64x512xf32>
    %add3A_336 = arith.addf %add3A_331, %mul3A_335 : vector<64x512xf32>
    %div3A_337 = arith.divf %exp3A_312, %add3A_321 : vector<1x512xf32>
    %slice3A_338 = vector.extract_strided_slice %add3A_108 {offsets = [192, 0], sizes = [64, 512], strides = [1, 1]} : vector<256x512xf32> to vector<64x512xf32>
    %mul3A_339 = vector.broadcast %div3A_337 : vector<1x512xf32> to vector<64x512xf32>
    %mul3A_340 = arith.mulf %mul3A_339, %slice3A_338 : vector<64x512xf32>
    %add3A_341 = arith.addf %add3A_336, %mul3A_340 : vector<64x512xf32>
    %div3A_342 = arith.divf %exp3A_314, %add3A_321 : vector<1x512xf32>
    %slice3A_343 = vector.extract_strided_slice %add3A_135 {offsets = [192, 0], sizes = [64, 512], strides = [1, 1]} : vector<256x512xf32> to vector<64x512xf32>
    %mul3A_344 = vector.broadcast %div3A_342 : vector<1x512xf32> to vector<64x512xf32>
    %mul3A_345 = arith.mulf %mul3A_344, %slice3A_343 : vector<64x512xf32>
    %add3A_346 = arith.addf %add3A_341, %mul3A_345 : vector<64x512xf32>
    %mul3A_347 = arith.constant 2.500000e-01 : f32
    %mul3A_348 = vector.broadcast %mul3A_347 : f32 to vector<64x512xf32>
    %mul3A_349 = arith.mulf %add3A_346, %mul3A_348 : vector<64x512xf32>
    %get3A_350 = arith.constant 0 : index
    %get3A_351 = arith.constant 0 : index
    %get3A_352 = vector.load %arg8[%get3A_350, %get3A_351] : memref<64x1xf32, #tpu.memory_space<vmem>>, vector<64x1xf32>
    %add3A_353 = vector.broadcast %get3A_352 : vector<64x1xf32> to vector<64x512xf32>
    %add3A_354 = arith.addf %mul3A_349, %add3A_353 : vector<64x512xf32>
    %max3A_355 = arith.constant 0.000000e+00 : f32
    %max3A_356 = vector.broadcast %max3A_355 : f32 to vector<64x512xf32>
    %max3A_357 = arith.maximumf %add3A_354, %max3A_356 : vector<64x512xf32>
    %swap3A = arith.constant 0 : index
    %swap3A_358 = arith.constant 0 : index
    %swap3A_359 = arith.constant 0 : index
    %swap3A_360 = vector.load %arg9[%swap3A, %swap3A_358, %swap3A_359] : memref<1x64x512xf32, #tpu.memory_space<vmem>>, vector<1x64x512xf32>
    %swap3A_361 = vector.shape_cast %swap3A_360 : vector<1x64x512xf32> to vector<64x512xf32>
    %swap3A_362 = vector.shape_cast %max3A_357 : vector<64x512xf32> to vector<1x64x512xf32>
    tpu.vector_store %arg9[%swap3A, %swap3A_358, %swap3A_359], %swap3A_362 {strides = array<i32>} : memref<1x64x512xf32, #tpu.memory_space<vmem>>, vector<1x64x512xf32>,
    %transpose3A = tpu.transpose %max3A_357, [1, 0] : vector<64x512xf32> -> vector<512x64xf32>
    %swap3A_363 = arith.constant 0 : index
    %swap3A_364 = arith.constant 0 : index
    %swap3A_365 = vector.load %arg10[%swap3A_363, %swap3A_364] : memref<512x128xf32, #tpu.memory_space<vmem>>, vector<512x64xf32>
    tpu.vector_store %arg10[%swap3A_363, %swap3A_364], %transpose3A {strides = array<i32>} : memref<512x128xf32, #tpu.memory_space<vmem>>, vector<512x64xf32>,
    return
  }
  func.func @transform_0(%arg0: i32) -> (i32, i32, i32) {
    %c0_i32 = arith.constant 0 : i32
    %c0_i32_0 = arith.constant 0 : i32
    %c0_i32_1 = arith.constant 0 : i32
    return %arg0, %c0_i32, %c0_i32_0 : i32, i32, i32
  }
  func.func @transform_1(%arg0: i32) -> (i32, i32, i32, i32) {
    %c0_i32 = arith.constant 0 : i32
    %c0_i32_0 = arith.constant 0 : i32
    %c0_i32_1 = arith.constant 0 : i32
    %c0_i32_2 = arith.constant 0 : i32
    return %c0_i32, %arg0, %c0_i32_0, %c0_i32_1 : i32, i32, i32, i32
  }
  func.func @transform_2(%arg0: i32) -> (i32, i32) {
    %c0_i32 = arith.constant 0 : i32
    %c0_i32_0 = arith.constant 0 : i32
    %c0_i32_1 = arith.constant 0 : i32
    return %c0_i32, %c0_i32_0 : i32, i32
  }
  func.func @transform_3(%arg0: i32) -> (i32, i32) {
    %c0_i32 = arith.constant 0 : i32
    %c0_i32_0 = arith.constant 0 : i32
    %c0_i32_1 = arith.constant 0 : i32
    return %c0_i32, %c0_i32_0 : i32, i32
  }
  func.func @transform_4(%arg0: i32) -> (i32, i32) {
    %c0_i32 = arith.constant 0 : i32
    %c0_i32_0 = arith.constant 0 : i32
    %c0_i32_1 = arith.constant 0 : i32
    return %c0_i32, %c0_i32_0 : i32, i32
  }
  func.func @transform_5(%arg0: i32) -> (i32, i32) {
    %c0_i32 = arith.constant 0 : i32
    %c0_i32_0 = arith.constant 0 : i32
    %c0_i32_1 = arith.constant 0 : i32
    return %c0_i32, %c0_i32_0 : i32, i32
  }
  func.func @transform_6(%arg0: i32) -> (i32, i32) {
    %c0_i32 = arith.constant 0 : i32
    %c0_i32_0 = arith.constant 0 : i32
    %c0_i32_1 = arith.constant 0 : i32
    return %c0_i32, %c0_i32_0 : i32, i32
  }
  func.func @transform_7(%arg0: i32) -> (i32, i32) {
    %c0_i32 = arith.constant 0 : i32
    %c0_i32_0 = arith.constant 0 : i32
    %c0_i32_1 = arith.constant 0 : i32
    return %c0_i32, %c0_i32_0 : i32, i32
  }
  func.func @transform_8(%arg0: i32) -> (i32, i32, i32) {
    %c0_i32 = arith.constant 0 : i32
    %c0_i32_0 = arith.constant 0 : i32
    %c0_i32_1 = arith.constant 0 : i32
    return %arg0, %c0_i32, %c0_i32_0 : i32, i32, i32
  }
  func.func @transform_9(%arg0: i32) -> (i32, i32) {
    %c0_i32 = arith.constant 0 : i32
    %c0_i32_0 = arith.constant 0 : i32
    return %arg0, %c0_i32 : i32, i32
  }
}

module attributes {stable_mosaic.version = 14 : i64} {
  func.func @_pool_kernel(%arg0: i32, %arg1: memref<1x64x512xf32, #tpu.memory_space<vmem>>, %arg2: memref<512x1xi32, #tpu.memory_space<vmem>>, %arg3: memref<8x64xf32, #tpu.memory_space<vmem>>, %arg4: memref<1x1xf32, #tpu.memory_space<vmem>>, %arg5: memref<64x512xf32, #tpu.memory_space<vmem>>, %arg6: memref<1x512xf32, #tpu.memory_space<vmem>>, %arg7: memref<1x512xf32, #tpu.memory_space<vmem>>) attributes {dimension_semantics = [#tpu.dimension_semantics<arbitrary>], iteration_bounds = array<i64: 98>, scalar_prefetch = 0 : i64, scratch_operands = 0 : i64, tpu.core_type = #tpu.core_type<tc>, window_params = [{transform_indices = @transform_0, window_bounds = array<i64: 1, 64, 512>}, {transform_indices = @transform_1, window_bounds = array<i64: 512, 1>}, {pipeline_mode = #tpu.pipeline_mode<synchronous>, transform_indices = @transform_2, window_bounds = array<i64: 8, 64>}, {pipeline_mode = #tpu.pipeline_mode<synchronous>, transform_indices = @transform_3, window_bounds = array<i64: 1, 1>}, {pipeline_mode = #tpu.pipeline_mode<synchronous>, transform_indices = @transform_4, window_bounds = array<i64: 64, 512>}, {pipeline_mode = #tpu.pipeline_mode<synchronous>, transform_indices = @transform_5, window_bounds = array<i64: 1, 512>}, {pipeline_mode = #tpu.pipeline_mode<synchronous>, transform_indices = @transform_6, window_bounds = array<i64: 1, 512>}]} {
    %eq3A = arith.constant 0 : i32
    %eq3A_0 = arith.cmpi eq, %arg0, %eq3A : i32
    %convert_element_type3A = arith.extui %eq3A_0 : i1 to i32
    %cond3A = arith.constant 0 : i32
    %cond3A_1 = arith.cmpi ne, %convert_element_type3A, %cond3A : i32
    scf.if %cond3A_1 {
      %broadcast_in_dim3A_32 = arith.constant 0.000000e+00 : f32
      %broadcast_in_dim3A_33 = vector.broadcast %broadcast_in_dim3A_32 : f32 to vector<64x512xf32>
      %swap3A_34 = arith.constant 0 : index
      %swap3A_35 = arith.constant 0 : index
      %swap3A_36 = vector.load %arg5[%swap3A_34, %swap3A_35] : memref<64x512xf32, #tpu.memory_space<vmem>>, vector<64x512xf32>
      tpu.vector_store %arg5[%swap3A_34, %swap3A_35], %broadcast_in_dim3A_33 {strides = array<i32>} : memref<64x512xf32, #tpu.memory_space<vmem>>, vector<64x512xf32>,
      %broadcast_in_dim3A_37 = arith.constant 0.000000e+00 : f32
      %broadcast_in_dim3A_38 = vector.broadcast %broadcast_in_dim3A_37 : f32 to vector<1x512xf32>
      %swap3A_39 = arith.constant 0 : index
      %swap3A_40 = arith.constant 0 : index
      %swap3A_41 = vector.load %arg6[%swap3A_39, %swap3A_40] : memref<1x512xf32, #tpu.memory_space<vmem>>, vector<1x512xf32>
      tpu.vector_store %arg6[%swap3A_39, %swap3A_40], %broadcast_in_dim3A_38 {strides = array<i32>} : memref<1x512xf32, #tpu.memory_space<vmem>>, vector<1x512xf32>,
    } else {
    }
    %get3A = arith.constant 0 : index
    %get3A_2 = arith.constant 0 : index
    %get3A_3 = vector.load %arg2[%get3A, %get3A_2] : memref<512x1xi32, #tpu.memory_space<vmem>>, vector<512x1xi32>
    %iota3A = tpu.iota {dimensions = array<i32: 1>} : vector<512x512xi32>
    %eq3A_4 = vector.broadcast %get3A_3 : vector<512x1xi32> to vector<512x512xi32>
    %eq3A_5 = arith.cmpi eq, %eq3A_4, %iota3A : vector<512x512xi32>
    %convert_element_type3A_6 = arith.extui %eq3A_5 : vector<512x512xi1> to vector<512x512xi32>
    %convert_element_type3A_7 = arith.sitofp %convert_element_type3A_6 : vector<512x512xi32> to vector<512x512xf32>
    %get3A_8 = arith.constant 0 : index
    %get3A_9 = arith.constant 0 : index
    %get3A_10 = vector.load %arg5[%get3A_8, %get3A_9] : memref<64x512xf32, #tpu.memory_space<vmem>>, vector<64x512xf32>
    %get3A_11 = arith.constant 0 : index
    %get3A_12 = arith.constant 0 : index
    %get3A_13 = arith.constant 0 : index
    %get3A_14 = vector.load %arg1[%get3A_11, %get3A_12, %get3A_13] : memref<1x64x512xf32, #tpu.memory_space<vmem>>, vector<1x64x512xf32>
    %get3A_15 = vector.shape_cast %get3A_14 : vector<1x64x512xf32> to vector<64x512xf32>
    %dot_general3A = arith.constant dense<0.000000e+00> : vector<64x512xf32>
    %dot_general3A_16 = tpu.matmul %get3A_15, %convert_element_type3A_7, %dot_general3A {dimension_numbers = #tpu.dot_dimension_numbers<[1], [0], [0], [1], [0, 0, 1, 1], [], []>, transpose_lhs_hint = false} : vector<64x512xf32>, vector<512x512xf32>, vector<64x512xf32> -> vector<64x512xf32>
    %add3A = arith.addf %get3A_10, %dot_general3A_16 : vector<64x512xf32>
    %swap3A = arith.constant 0 : index
    %swap3A_17 = arith.constant 0 : index
    %swap3A_18 = vector.load %arg5[%swap3A, %swap3A_17] : memref<64x512xf32, #tpu.memory_space<vmem>>, vector<64x512xf32>
    tpu.vector_store %arg5[%swap3A, %swap3A_17], %add3A {strides = array<i32>} : memref<64x512xf32, #tpu.memory_space<vmem>>, vector<64x512xf32>,
    %get3A_19 = arith.constant 0 : index
    %get3A_20 = arith.constant 0 : index
    %get3A_21 = vector.load %arg6[%get3A_19, %get3A_20] : memref<1x512xf32, #tpu.memory_space<vmem>>, vector<1x512xf32>
    %reduce_sum3A = arith.constant dense<0.000000e+00> : vector<512xf32>
    %reduce_sum3A_22 = vector.multi_reduction <add>, %convert_element_type3A_7, %reduce_sum3A [0] : vector<512x512xf32> to vector<512xf32>
    %broadcast_in_dim3A = vector.shape_cast %reduce_sum3A_22 : vector<512xf32> to vector<1x512xf32>
    %add3A_23 = arith.addf %get3A_21, %broadcast_in_dim3A : vector<1x512xf32>
    %swap3A_24 = arith.constant 0 : index
    %swap3A_25 = arith.constant 0 : index
    %swap3A_26 = vector.load %arg6[%swap3A_24, %swap3A_25] : memref<1x512xf32, #tpu.memory_space<vmem>>, vector<1x512xf32>
    tpu.vector_store %arg6[%swap3A_24, %swap3A_25], %add3A_23 {strides = array<i32>} : memref<1x512xf32, #tpu.memory_space<vmem>>, vector<1x512xf32>,
    %eq3A_27 = arith.constant 97 : i32
    %eq3A_28 = arith.cmpi eq, %arg0, %eq3A_27 : i32
    %convert_element_type3A_29 = arith.extui %eq3A_28 : i1 to i32
    %cond3A_30 = arith.constant 0 : i32
    %cond3A_31 = arith.cmpi ne, %convert_element_type3A_29, %cond3A_30 : i32
    scf.if %cond3A_31 {
      %get3A_32 = arith.constant 0 : index
      %get3A_33 = arith.constant 0 : index
      %get3A_34 = vector.load %arg5[%get3A_32, %get3A_33] : memref<64x512xf32, #tpu.memory_space<vmem>>, vector<64x512xf32>
      %get3A_35 = arith.constant 0 : index
      %get3A_36 = arith.constant 0 : index
      %get3A_37 = vector.load %arg6[%get3A_35, %get3A_36] : memref<1x512xf32, #tpu.memory_space<vmem>>, vector<1x512xf32>
      %max3A = arith.constant 1.000000e+00 : f32
      %max3A_38 = vector.broadcast %max3A : f32 to vector<1x512xf32>
      %max3A_39 = arith.maximumf %get3A_37, %max3A_38 : vector<1x512xf32>
      %div3A = vector.broadcast %max3A_39 : vector<1x512xf32> to vector<64x512xf32>
      %div3A_40 = arith.divf %get3A_34, %div3A : vector<64x512xf32>
      %get3A_41 = arith.constant 0 : index
      %get3A_42 = arith.constant 0 : index
      %get3A_43 = vector.load %arg3[%get3A_41, %get3A_42] : memref<8x64xf32, #tpu.memory_space<vmem>>, vector<8x64xf32>
      %dot_general3A_44 = arith.constant dense<0.000000e+00> : vector<8x512xf32>
      %dot_general3A_45 = tpu.matmul %get3A_43, %div3A_40, %dot_general3A_44 {dimension_numbers = #tpu.dot_dimension_numbers<[1], [0], [0], [1], [0, 0, 1, 1], [], []>, transpose_lhs_hint = false} : vector<8x64xf32>, vector<64x512xf32>, vector<8x512xf32> -> vector<8x512xf32>
      %slice3A = vector.extract_strided_slice %dot_general3A_45 {offsets = [0, 0], sizes = [1, 512], strides = [1, 1]} : vector<8x512xf32> to vector<1x512xf32>
      %get3A_46 = arith.constant 0 : index
      %get3A_47 = arith.constant 0 : index
      %get3A_48 = vector.load %arg4[%get3A_46, %get3A_47] : memref<1x1xf32, #tpu.memory_space<vmem>>, vector<1x1xf32>
      %add3A_49 = vector.broadcast %get3A_48 : vector<1x1xf32> to vector<1x512xf32>
      %add3A_50 = arith.addf %slice3A, %add3A_49 : vector<1x512xf32>
      %swap3A_51 = arith.constant 0 : index
      %swap3A_52 = arith.constant 0 : index
      %swap3A_53 = vector.load %arg7[%swap3A_51, %swap3A_52] : memref<1x512xf32, #tpu.memory_space<vmem>>, vector<1x512xf32>
      tpu.vector_store %arg7[%swap3A_51, %swap3A_52], %add3A_50 {strides = array<i32>} : memref<1x512xf32, #tpu.memory_space<vmem>>, vector<1x512xf32>,
    } else {
    }
    return
  }
  func.func @transform_0(%arg0: i32) -> (i32, i32, i32) {
    %c0_i32 = arith.constant 0 : i32
    %c0_i32_0 = arith.constant 0 : i32
    %c0_i32_1 = arith.constant 0 : i32
    return %arg0, %c0_i32, %c0_i32_0 : i32, i32, i32
  }
  func.func @transform_1(%arg0: i32) -> (i32, i32) {
    %c0_i32 = arith.constant 0 : i32
    %c0_i32_0 = arith.constant 0 : i32
    return %arg0, %c0_i32 : i32, i32
  }
  func.func @transform_2(%arg0: i32) -> (i32, i32) {
    %c0_i32 = arith.constant 0 : i32
    %c0_i32_0 = arith.constant 0 : i32
    %c0_i32_1 = arith.constant 0 : i32
    return %c0_i32, %c0_i32_0 : i32, i32
  }
  func.func @transform_3(%arg0: i32) -> (i32, i32) {
    %c0_i32 = arith.constant 0 : i32
    %c0_i32_0 = arith.constant 0 : i32
    %c0_i32_1 = arith.constant 0 : i32
    return %c0_i32, %c0_i32_0 : i32, i32
  }
  func.func @transform_4(%arg0: i32) -> (i32, i32) {
    %c0_i32 = arith.constant 0 : i32
    %c0_i32_0 = arith.constant 0 : i32
    %c0_i32_1 = arith.constant 0 : i32
    return %c0_i32, %c0_i32_0 : i32, i32
  }
  func.func @transform_5(%arg0: i32) -> (i32, i32) {
    %c0_i32 = arith.constant 0 : i32
    %c0_i32_0 = arith.constant 0 : i32
    %c0_i32_1 = arith.constant 0 : i32
    return %c0_i32, %c0_i32_0 : i32, i32
  }
  func.func @transform_6(%arg0: i32) -> (i32, i32) {
    %c0_i32 = arith.constant 0 : i32
    %c0_i32_0 = arith.constant 0 : i32
    %c0_i32_1 = arith.constant 0 : i32
    return %c0_i32, %c0_i32_0 : i32, i32
  }
}

</mosaic_0001>

<sc_bundles>
// kernel: kernel.11.cloned.1.call-start
scs
__scs_entry_jumppad:
0x0: {  	(pc) =	sbr.rel $0x88, $3  }
0x1: {  	(tag) =	ssettag $0x0;
	lr =	simm.s32 $0x1  }
0x2: {  	[smem:$0x3F89] =	sst lr;
	_ =	strace $0xD0000000  }
0x3: {  	_ = 	snop  }
0x4: {  	_ = 	snop  }
0x5: {  	_ = 	snop  }
0x6: {  	_ = 	snop  }
0x7: {  	_ = 	snop  }
__scs_overlays_trampoline_lowered:
0x8: {  	[smem:$0x3F98] =	sst s0  }
0x9: {  	[smem:$0x3F99] =	sst s1  }
0xa: {  	[smem:$0x3F9A] =	sst s2  }
0xb: {  	[smem:$0x3F9B] =	sst s3  }
0xc: {  	[smem:$0x3F9C] =	sst s4  }
0xd: {  	[smem:$0x3F9D] =	sst s5  }
0xe: {  	[smem:$0x3F9E] =	sst s6  }
0xf: {  	[smem:$0x3F9F] =	sst s7  }
0x10: {  	[smem:$0x3FA0] =	sst s8  }
0x11: {  	[smem:$0x3FA1] =	sst s9;
	s0 =	simm.s32 @!p0 $0x0  }
0x12: {  	s1 =	sld [smem:$0x3F87];
	s0 =	simm.s32 @p0 $0x1  }
0x13: {  	[smem:$0x3FA2] =	sst s0;
	s0 =	simm.s32 @!p1 $0x0  }
0x14: {  	s2 =	sld [smem:$0x3F86];
	s0 =	simm.s32 @p1 $0x1  }
0x15: {  	[smem:$0x3FA3] =	sst s0;
	s0 =	simm.s32 @!p2 $0x0  }
0x16: {  	s3 =	sld [smem:$0x3FDB];
	s0 =	simm.s32 @p2 $0x1  }
0x17: {  	s4 =	simm.s32 $0x1BF5;
	[smem:$0x3FA5] =	sst s0  }
0x18: {  	s0 =	sld [smem:$0x3F88];
	_ =	swait.ge [sflag:s4], $0x0  }
0x19: {  	s7 =	sld [smem:$0x3F89]  }
0x1a: {  	s8 =	sadd.s32 $0xFFFFE003, lr  }
0x1b: {  	s9 =	sadd.s32 $0xFFFFFEF7, lr;
	s5 =	simm.s32 $0xFFFFFFFF;
	p2 =	slt.u32 s8, $0xFFFFF086  }
0x1c: {  	p1 =	slt.u32 s9, $0xF7A;
	s5 =	simm.s32 @!p2 $0x0  }
0x1d: {  	s5 =	simm.s32 @p1 $0x1;
	p0 =	seq.s32 s7, s2  }
0x1e: {  	s7 =	smul.u32 @!p0 $0xF7A, s2;
	p2 =	seq.s32 @!p0 s5, $0x0  }
0x1f: {  	s9 =	smul.u32 $0xF7A, s1;
	s8 =	simm.s32 @!p0 $0x1BF5;
	p2 =	por !p2, p0  }
0x20: {  	[sflag:s8] =	ssyncset.s32 @!p0 $0xFFFFF086;
	s6 =	sadd.s32 @!p0 s3, s7;
	s7 =	simm.s32 @!p0 $0x108  }
0x21: {  	s3 =	sadd.s32 s3, s9;
	s6 =	sadd.s32 @!p0 $0x88, s6;
	s7 =	simm.s32 @p2 $0x1082  }
0x22: {  	[simem:s7], [sflag:s8] =	dma.local @!p0 [hbm:s6], $0xF7A  }
0x23: {  	s9 =	sor.u32 $0xD0000000, s2;
	s6 =	simm.s32 $0x108;
	_ =	swait.ge @!p0 [sflag:s8], $0x0  }
0x24: {  	s3 =	sadd.s32 $0x88, s3;
	s6 =	simm.s32 @!p1 $0x1082;
	[sflag:s4] =	ssyncset.s32 $0xFFFFF086  }
0x25: {  	[simem:s6], [sflag:s4] =	dma.local [hbm:s3], $0xF7A  }
0x26: {  	[smem:$0x3F89] =	sst s1;
	(tag) =	ssettag s2;
	_ =	strace s9  }
0x27: {  	s1 =	sld [smem:$0x3F99]  }
0x28: {  	s2 =	sld [smem:$0x3F9A]  }
0x29: {  	s4 =	sld [smem:$0x3F9C]  }
0x2a: {  	p0 =	seq.s32 s5, $0x0;
	s5 =	sld [smem:$0x3F9D]  }
0x2b: {  	s6 =	sld [smem:$0x3F9E]  }
0x2c: {  	s7 =	sld [smem:$0x3F9F]  }
0x2d: {  	s3 =	simm.s32 $0x108;
	s8 =	sld [smem:$0x3FA0]  }
0x2e: {  	s3 =	simm.s32 @!p0 $0x1082;
	s9 =	sld [smem:$0x3FA1]  }
0x2f: {  	lr =	sadd.s32 s0, s3;
	s0 =	sld [smem:$0x3F98]  }
0x30: {  	s3 =	sld [smem:$0x3F9B]  }
0x31: {  	[smem:$0x3FA4] =	sst s10  }
0x32: {  	s10 =	sld [smem:$0x3FA2];
	_ =	sdelay $0x3  }
0x33: {  	p0 =	seq.s32 s10, $0x1;
	s10 =	sld [smem:$0x3FA4];
	_ =	sdelay $0x3  }
0x34: {  	[smem:$0x3FA4] =	sst s10  }
0x35: {  	s10 =	sld [smem:$0x3FA3];
	_ =	sdelay $0x3  }
0x36: {  	p1 =	seq.s32 s10, $0x1;
	s10 =	sld [smem:$0x3FA4];
	_ =	sdelay $0x3  }
0x37: {  	[smem:$0x3FA4] =	sst s10  }
0x38: {  	s10 =	sld [smem:$0x3FA5]  }
0x39: {  	_ = 	snop;
	(pc) =	sbr.ind lr, $3  }
0x3a: {  	_ = 	snop  }
0x3b: {  	_ = 	snop  }
0x3c: {  	p2 =	seq.s32 s10, $0x1;
	s10 =	sld [smem:$0x3FA4]  }
0x3d: {  	_ =	shalt  }
0x3e: {  	_ =	shalt  }
0x3f: {  	_ =	shalt  }
0x40: {  	_ =	shalt  }
0x41: {  	_ =	shalt  }
0x42: {  	_ =	shalt  }
0x43: {  	_ =	shalt  }
0x44: {  	_ =	shalt  }
0x45: {  	_ =	shalt  }
0x46: {  	_ =	shalt  }
0x47: {  	_ =	shalt  }
0x48: {  	_ =	shalt  }
0x49: {  	_ =	shalt  }
0x4a: {  	_ =	shalt  }
0x4b: {  	_ =	shalt  }
0x4c: {  	_ =	shalt  }
0x4d: {  	_ =	shalt  }
0x4e: {  	_ =	shalt  }
0x4f: {  	_ =	shalt  }
0x50: {  	_ =	shalt  }
0x51: {  	_ =	shalt  }
0x52: {  	_ =	shalt  }
0x53: {  	_ =	shalt  }
0x54: {  	_ =	shalt  }
0x55: {  	_ =	shalt  }
0x56: {  	_ =	shalt  }
0x57: {  	_ =	shalt  }
0x58: {  	_ =	shalt  }
0x59: {  	_ =	shalt  }
0x5a: {  	_ =	shalt  }
0x5b: {  	_ =	shalt  }
0x5c: {  	_ =	shalt  }
0x5d: {  	_ =	shalt  }
0x5e: {  	_ =	shalt  }
0x5f: {  	_ =	shalt  }
0x60: {  	_ =	shalt  }
0x61: {  	_ =	shalt  }
0x62: {  	_ =	shalt  }
0x63: {  	_ =	shalt  }
0x64: {  	_ =	shalt  }
0x65: {  	_ =	shalt  }
0x66: {  	_ =	shalt  }
0x67: {  	_ =	shalt  }
0x68: {  	_ =	shalt  }
0x69: {  	_ =	shalt  }
0x6a: {  	_ =	shalt  }
0x6b: {  	_ =	shalt  }
0x6c: {  	_ =	shalt  }
0x6d: {  	_ =	shalt  }
0x6e: {  	_ =	shalt  }
0x6f: {  	_ =	shalt  }
0x70: {  	_ =	shalt  }
0x71: {  	_ =	shalt  }
0x72: {  	_ =	shalt  }
0x73: {  	_ =	shalt  }
0x74: {  	_ =	shalt  }
0x75: {  	_ =	shalt  }
0x76: {  	_ =	shalt  }
0x77: {  	_ =	shalt  }
0x78: {  	_ =	shalt  }
0x79: {  	_ =	shalt  }
0x7a: {  	_ =	shalt  }
0x7b: {  	_ =	shalt  }
0x7c: {  	_ =	shalt  }
0x7d: {  	_ =	shalt  }
0x7e: {  	_ =	shalt  }
0x7f: {  	_ =	shalt  }
0x80: {  	_ =	shalt  }
0x81: {  	_ =	shalt  }
0x82: {  	_ =	shalt  }
0x83: {  	_ =	shalt  }
0x84: {  	_ =	shalt  }
0x85: {  	_ =	shalt  }
0x86: {  	_ =	shalt  }
0x87: {  	_ =	shalt  }
.Lfunc_end0:
.L_simem_size_0:
called_computation_lowered:
.L_overlay_start_0:
0x88: {  	s2 =	sld [smem:$0x3FD9]  }
0x89: {  	s3 =	sld [smem:$0x3FFE];
	_ =	sdelay $0x1  }
0x8a: {  	s1 =	srdreg.scid  }
0x8b: {  	s0 =	sand.u32 $0x1, s1  }
0x8c: {  	s16 =	sshll.u32 s0, $0xA;
	s2 =	sadd.s32 s3, s2  }
0x8d: {  	s2 =	sadd.s32 s2, s16  }
0x8e: {  	[smem:$0x3FB0] =	sst s2  }
0x8f: {  	_ = 	snop  }
0x90: {  	(tm) =	ssettm $0x1  }
0x91: {  	s17 =	sld [smem:$0x3FFB];
	_ =	sdelay $0x3  }
0x92: {  	_ =	strace s17  }
0x93: {  	s2 =	sld [smem:$0x3FFC];
	_ =	sdelay $0x3  }
0x94: {  	_ =	strace s2  }
0x95: {  	s2 =	sld [smem:$0x3FFD];
	_ =	sdelay $0x3  }
0x96: {  	_ =	strace s2  }
0x97: {  	_ =	strace $0x8FFFFFFF  }
0x98: {  	s18 =	sld [smem:$0x3FDB];
	_ =	sdelay $0x1  }
0x99: {  	s19 =	simm.s32 $_scs_section_size  }
0x9a: {  	s4 =	simm.s32 $_size__tile_overlayer_lowered;
	s5 =	simm.s32 $_tile_overlayer_lowered  }
0x9b: {  	s22 =	simm.s32 $0x1BFF;
	s21 =	sshll.u32 s5, $0x1;
	s2 =	sadd.s32 s19, s18  }
0x9c: {  	s6 =	simm.s32 $0x0;
	s20 =	sshll.u32 s4, $0x1;
	s4 =	sadd.s32 s21, s2  }
0x9d: {  	[timem:s6], [sflag:s22] =	dma.local [hbm:s4], s20  }
0x9e: {  	_ =	swait.ge [sflag:s22], s20  }
0x9f: {  	s3 =	ssub.s32 $0x0, s20;
	[sflag:s22] =	ssyncset.done $0x0  }
0xa0: {  	[sflag:s22] =	ssyncadd.s32 s3;
	_ =	sdelay $0x1  }
0xa1: {  	s23 =	simm.s32 $0x1B8B  }
0xa2: {  	_ =	swait.ge [sflag:s23], $0x1  }
0xa3: {  	[sflag:s23] =	ssyncset.done $0x0  }
0xa4: {  	s25 =	simm.s32 $0x1B8E;
	s24 =	sld [smem:$0x3FFE];
	[sflag:s23] =	ssyncadd.s32 $0xFFFFFFFF  }
0xa5: {  	s26 =	simm.s32 $execute0_lowered;
	[smem:$0x3FD2] =	sst s25  }
0xa6: {  	s4 =	sshll.u32 s26, $0x1;
	_ =	strace $0x80000046;
	[dreg:$0x1] =	wrdreg $0xFFFFFFFF  }
0xa7: {  	s28 =	simm.s32 $_size_execute0_lowered;
	s2 =	sadd.s32 s2, s4;
	[dreg:$0x0] =	wrdreg $0x0  }
0xa8: {  	s4 =	sshll.u32 s28, $0x1;
	[dreg:$0x2] =	wrdreg s2  }
0xa9: {  	[dreg:$0x3] =	wrdreg s4  }
0xaa: {  	[dreg:$0x4] =	wrdreg $0xC0  }
0xab: {  	_ =	task [dreg:s6], $0x5FFFF  }
0xac: {  	[dreg:$0x1] =	wrdreg $0xFFFFFFFF  }
0xad: {  	[dreg:$0x0] =	wrdreg $0x60  }
0xae: {  	[dreg:$0x2] =	wrdreg s24  }
0xaf: {  	[dreg:$0x3] =	wrdreg $0x9  }
0xb0: {  	_ =	task.clear_ibuf [dreg:s6], $0x4FFFF;
	_ =	strace $0x90000046  }
0xb1: {  	s29 =	simm.s32 $0x9;
	_ =	strace $0x80000048  }
0xb2: {  	_ =	swait.ge [sflag:s29], $0x1  }
0xb3: {  	[sflag:s29] =	ssyncadd.s32 $0xFFFFFFFF  }
0xb4: {  	_ =	strace $0x90000048  }
0xb5: {  	_ =	sfence  }
0xb6: {  	s30 =	sld [smem:$0x0];
	_ =	sdelay $0x2  }
0xb7: {  	s31 =	sshll.u32 s1, $0xD;
	s1 =	sshrl.u32 s1, $0x2  }
0xb8: {  	s3 =	sand.u32 $0x4000, s31;
	s1 =	sadd.s32 s1, s30  }
0xb9: {  	s0 =	sor.u32 s3, s0;
	s1 =	sshll.u32 s1, $0x11  }
0xba: {  	s0 =	sor.u32 s1, s0  }
0xbb: {  	s0 =	sadd.s32 $0x8F2B, s0  }
0xbc: {  	[sflag:s0] =	ssyncadd.remote.s32 $0x1  }
0xbd: {  	_ =	sfence.sel $0xFFFF  }
0xbe: {  	[dreg:$0x0] =	wrdreg $0xFFFFFFFF;
	(pc) =	sbr.abs _section_cstart, $3  }
0xbf: {  	[dreg:$0x1] =	wrdreg $0xFFFFFFFF  }
0xc0: {  	_ =	task.clear_ibuf [dreg:s6], $0x2FFFF;
	_ =	strace $0x9FFFFFFF  }
0xc1: {  	(tm) =	ssettm $0x7FFFFFFF  }
tec
execute0_lowered:
.L_overlay_start_1:
0x0: {  	(tag) =	ssettag $0x1  }
0x1: {  	s4 =	rddreg [dreg:$0x0]  }
0x2: {  	s0 =	rddreg [dreg:$0x1]  }
0x3: {  	s3 =	srdreg.scid;
	s1 =	stileid.u32;
	s2 =	simm.s32 $0x0  }
0x4: {  	s10 =	simm.s32 $0x1;
	s11 =	simm.s32 $0x0;
	s6 =	smul.u32 $0x3D40, s1  }
0x5: {  	s5 =	sand.u32 $0x1, s3;
	[smem:$0x7FF] =	sst s2;
	s8 =	smul.u32 $0x3D400, s1  }
0x6: {  	s3 =	sadd.s32 $0xD1000, s4;
	s7 =	smul.u32 $0x1EA0, s5;
	s9 =	ssub.s32 $0x2, s5  }
0x7: {  	_ =	strace $0x80000047;
	s5 =	smul.u32 $0x1EA00, s5;
	s31 =	sshrl.u32 s9, $0x1  }
0x8: {  	s30 =	sadd.s32 s8, s4;
	s6 =	sadd.s32 s7, s6;
	s8 =	ssub.s32 s9, s31  }
0x9: {  	s5 =	sadd.s32 s5, s30;
	s7 =	simm.s32 $0x2;
	s6 =	sshrl.u32 s6, $0x3  }
0xa: {  	s9 =	simm.s32 $0x180;
	s5 =	sadd.s32 $0x1F7000, s5;
	s6 =	sadd.s32 s6, s4  }
0xb: {  	s4 =	smax.u32 s8, $0x1;
	s8 =	simm.s32 $0x118;
	s6 =	sadd.s32 $0xC9400, s6  }
.LBB2_1:
0xc: {  	s12 =	sadd.s32 $0x0, s6  }
0xd: {  	[tilespmem:s2], [sflag:$0x2] =	stream.linear.gather [hbm4b:s12+s2], $0x118, $0x38;
	[tilespmem:$0x8D80] =	vst v63  }
0xe: {  	_ =	swait.ge [sflag:s7], $0x118  }
0xf: {  	[sflag:s7] =	ssyncset.done $0x0  }
0x10: {  	[sflag:s7] =	ssyncadd.s32 $0xFFFFFEE8  }
0x11: {  	[tilespmem:s9], [sflag:$0x1] =	stream.indirect.gather [hbm4b:s3+s8], $0x80, s2, s8, $0xb8;
	[tilespmem:$0x8D80] =	vst v63  }
0x12: {  	_ =	swait.ge [sflag:s10], $0x8C00  }
0x13: {  	[sflag:s10] =	ssyncset.done $0x0  }
0x14: {  	[sflag:s10] =	ssyncadd.s32 $0xFFFF7400  }
0x15: {  	[hbm4b:s5+s2] =	stream.linear.scatter [tilespmem:s9], [sflag:$0x2], $0x8C00, $0x38;
	[tilespmem:$0x8D80] =	vst v63  }
0x16: {  	s13 =	simm.s32 $0x23;
	_ =	swait.ge [sflag:s7], $0x8C00  }
0x17: {  	s14 =	simm.s32 $0x46;
	s12 =	sadd.s32 $0x1180, s5;
	[sflag:s7] =	ssyncset.done $0x0  }
.LBB2_2:
0x18: {  	s15 =	sadd.s32 s13, s6  }
0x19: {  	[sflag:s7] =	ssyncadd.s32 $0xFFFF7400;
	s13 =	smov.u32 s14;
	s16 =	sadd.s32 $0x23, s14  }
0x1a: {  	[tilespmem:s2], [sflag:$0x2] =	stream.linear.gather [hbm4b:s15+s2], $0x118, $0x38;
	[tilespmem:$0x8D80] =	vst v63  }
0x1b: {  	p0 =	sne.s32 s14, $0x3B1;
	_ =	swait.ge [sflag:s7], $0x118  }
0x1c: {  	[sflag:s7] =	ssyncset.done $0x0  }
0x1d: {  	[sflag:s7] =	ssyncadd.s32 $0xFFFFFEE8  }
0x1e: {  	[tilespmem:s9], [sflag:$0x1] =	stream.indirect.gather [hbm4b:s3+s8], $0x80, s2, s8, $0xb8;
	[tilespmem:$0x8D80] =	vst v63  }
0x1f: {  	_ =	swait.ge [sflag:s10], $0x8C00  }
.Ltmp0:
0x20: {  	[sflag:s10] =	ssyncset.done $0x0;
	(pc) =	sbr.rel @p0 .LBB2_2-.Ltmp0, $4  }
0x21: {  	[sflag:s10] =	ssyncadd.s32 $0xFFFF7400  }
0x22: {  	[hbm4b:s12+s2] =	stream.linear.scatter [tilespmem:s9], [sflag:$0x2], $0x8C00, $0x38;
	[tilespmem:$0x8D80] =	vst v63  }
0x23: {  	_ =	swait.ge [sflag:s7], $0x8C00  }
0x24: {  	s14 =	smov.u32 s16;
	s12 =	sadd.s32 $0x1180, s12;
	[sflag:s7] =	ssyncset.done $0x0  }
0x25: {  	s13 =	sadd.s32 s13, s6;
	[sflag:s7] =	ssyncadd.s32 $0xFFFF7400  }
0x26: {  	[tilespmem:s2], [sflag:$0x2] =	stream.linear.gather [hbm4b:s13+s2], $0x118, $0x38;
	[tilespmem:$0x8D80] =	vst v63  }
0x27: {  	_ =	swait.ge [sflag:s7], $0x118  }
0x28: {  	[sflag:s7] =	ssyncset.done $0x0  }
0x29: {  	[sflag:s7] =	ssyncadd.s32 $0xFFFFFEE8  }
0x2a: {  	[tilespmem:s9], [sflag:$0x1] =	stream.indirect.gather [hbm4b:s3+s8], $0x80, s2, s8, $0xb8;
	[tilespmem:$0x8D80] =	vst v63  }
0x2b: {  	s11 =	sadd.s32 $0x1, s11;
	_ =	swait.ge [sflag:s10], $0x8C00  }
0x2c: {  	p0 =	sne.s32 s11, s4;
	[sflag:s10] =	ssyncset.done $0x0  }
.Ltmp1:
0x2d: {  	[sflag:s10] =	ssyncadd.s32 $0xFFFF7400;
	(pc) =	sbr.rel @p0 .LBB2_1-.Ltmp1, $4  }
0x2e: {  	[hbm4b:s12+s2] =	stream.linear.scatter [tilespmem:s9], [sflag:$0x2], $0x8C00, $0x38;
	[tilespmem:$0x8D80] =	vst v63  }
0x2f: {  	_ =	swait.ge [sflag:s7], $0x8C00  }
0x30: {  	[sflag:s7] =	ssyncset.done $0x0  }
0x31: {  	[sflag:s7] =	ssyncadd.s32 $0xFFFF7400  }
0x32: {  	_ =	sfence.sel $0x180000  }
0x33: {  	[bflag:$0x0] =	sbarrier.arrive $0xFFFF  }
0x34: {  	p0 =	sne.s32 s1, $0x0;
	_ =	strace $0x90000047  }
0x35: {  	s0 =	sadd.s32 @!p0 $0x100000, s0;
	[bflag:$0x2] =	sbarrier.arrive $0xFFFF  }
0x36: {  	[sflag:s0] =	ssyncadd.tile.s32 @!p0 $0x1;
	_ =	shalt  }
.Lfunc_end2:
_tile_overlayer_lowered:
.L_overlay_start_2:
0x37: {  	(tag) =	ssettag $0x2  }
0x38: {  	s0 =	rddreg [dreg:$0x0];
	s2 =	stileid.u32  }
0x39: {  	s1 =	rddreg [dreg:$0x1];
	p0 =	sne.s32 s2, $0x0  }
0x3a: {  	s3 =	rddreg [dreg:$0x2];
	[bflag:$0x3] =	sbarrier.arrive $0xFFFF;
	s2 =	simm.s32 @!p0 $0x1C02  }
0x3b: {  	[timem:s3], [sflag:s2] =	dma.local @!p0 [hbm:s0], s1  }
0x3c: {  	s0 =	simm.s32 @!p0 $0x2  }
0x3d: {  	_ =	swait.ge @!p0 [sflag:s0], s1  }
0x3e: {  	s1 =	ssub.s32 @!p0 $0x0, s1;
	[sflag:s0] =	ssyncset.done @!p0 $0x0  }
0x3f: {  	[sflag:s0] =	ssyncadd.s32 @!p0 s1  }
0x40: {  	[bflag:$0x3] =	sbarrier.arrive $0xFFFF  }
0x41: {  	_ =	shalt  }

// kernel: kernel.14.cloned.1.call-start
scs
__scs_entry_jumppad:
0x0: {  	(pc) =	sbr.rel $0x88, $3  }
0x1: {  	(tag) =	ssettag $0x0;
	lr =	simm.s32 $0x1  }
0x2: {  	[smem:$0x3F89] =	sst lr;
	_ =	strace $0xD0000000  }
0x3: {  	_ = 	snop  }
0x4: {  	_ = 	snop  }
0x5: {  	_ = 	snop  }
0x6: {  	_ = 	snop  }
0x7: {  	_ = 	snop  }
__scs_overlays_trampoline_lowered:
0x8: {  	[smem:$0x3F98] =	sst s0  }
0x9: {  	[smem:$0x3F99] =	sst s1  }
0xa: {  	[smem:$0x3F9A] =	sst s2  }
0xb: {  	[smem:$0x3F9B] =	sst s3  }
0xc: {  	[smem:$0x3F9C] =	sst s4  }
0xd: {  	[smem:$0x3F9D] =	sst s5  }
0xe: {  	[smem:$0x3F9E] =	sst s6  }
0xf: {  	[smem:$0x3F9F] =	sst s7  }
0x10: {  	[smem:$0x3FA0] =	sst s8  }
0x11: {  	[smem:$0x3FA1] =	sst s9;
	s0 =	simm.s32 @!p0 $0x0  }
0x12: {  	s1 =	sld [smem:$0x3F87];
	s0 =	simm.s32 @p0 $0x1  }
0x13: {  	[smem:$0x3FA2] =	sst s0;
	s0 =	simm.s32 @!p1 $0x0  }
0x14: {  	s2 =	sld [smem:$0x3F86];
	s0 =	simm.s32 @p1 $0x1  }
0x15: {  	[smem:$0x3FA3] =	sst s0;
	s0 =	simm.s32 @!p2 $0x0  }
0x16: {  	s3 =	sld [smem:$0x3FDB];
	s0 =	simm.s32 @p2 $0x1  }
0x17: {  	s4 =	simm.s32 $0x1BF5;
	[smem:$0x3FA5] =	sst s0  }
0x18: {  	s0 =	sld [smem:$0x3F88];
	_ =	swait.ge [sflag:s4], $0x0  }
0x19: {  	s7 =	sld [smem:$0x3F89]  }
0x1a: {  	s8 =	sadd.s32 $0xFFFFE003, lr  }
0x1b: {  	s9 =	sadd.s32 $0xFFFFFEF7, lr;
	s5 =	simm.s32 $0xFFFFFFFF;
	p2 =	slt.u32 s8, $0xFFFFF086  }
0x1c: {  	p1 =	slt.u32 s9, $0xF7A;
	s5 =	simm.s32 @!p2 $0x0  }
0x1d: {  	s5 =	simm.s32 @p1 $0x1;
	p0 =	seq.s32 s7, s2  }
0x1e: {  	s7 =	smul.u32 @!p0 $0xF7A, s2;
	p2 =	seq.s32 @!p0 s5, $0x0  }
0x1f: {  	s9 =	smul.u32 $0xF7A, s1;
	s8 =	simm.s32 @!p0 $0x1BF5;
	p2 =	por !p2, p0  }
0x20: {  	[sflag:s8] =	ssyncset.s32 @!p0 $0xFFFFF086;
	s6 =	sadd.s32 @!p0 s3, s7;
	s7 =	simm.s32 @!p0 $0x108  }
0x21: {  	s3 =	sadd.s32 s3, s9;
	s6 =	sadd.s32 @!p0 $0x88, s6;
	s7 =	simm.s32 @p2 $0x1082  }
0x22: {  	[simem:s7], [sflag:s8] =	dma.local @!p0 [hbm:s6], $0xF7A  }
0x23: {  	s9 =	sor.u32 $0xD0000000, s2;
	s6 =	simm.s32 $0x108;
	_ =	swait.ge @!p0 [sflag:s8], $0x0  }
0x24: {  	s3 =	sadd.s32 $0x88, s3;
	s6 =	simm.s32 @!p1 $0x1082;
	[sflag:s4] =	ssyncset.s32 $0xFFFFF086  }
0x25: {  	[simem:s6], [sflag:s4] =	dma.local [hbm:s3], $0xF7A  }
0x26: {  	[smem:$0x3F89] =	sst s1;
	(tag) =	ssettag s2;
	_ =	strace s9  }
0x27: {  	s1 =	sld [smem:$0x3F99]  }
0x28: {  	s2 =	sld [smem:$0x3F9A]  }
0x29: {  	s4 =	sld [smem:$0x3F9C]  }
0x2a: {  	p0 =	seq.s32 s5, $0x0;
	s5 =	sld [smem:$0x3F9D]  }
0x2b: {  	s6 =	sld [smem:$0x3F9E]  }
0x2c: {  	s7 =	sld [smem:$0x3F9F]  }
0x2d: {  	s3 =	simm.s32 $0x108;
	s8 =	sld [smem:$0x3FA0]  }
0x2e: {  	s3 =	simm.s32 @!p0 $0x1082;
	s9 =	sld [smem:$0x3FA1]  }
0x2f: {  	lr =	sadd.s32 s0, s3;
	s0 =	sld [smem:$0x3F98]  }
0x30: {  	s3 =	sld [smem:$0x3F9B]  }
0x31: {  	[smem:$0x3FA4] =	sst s10  }
0x32: {  	s10 =	sld [smem:$0x3FA2];
	_ =	sdelay $0x3  }
0x33: {  	p0 =	seq.s32 s10, $0x1;
	s10 =	sld [smem:$0x3FA4];
	_ =	sdelay $0x3  }
0x34: {  	[smem:$0x3FA4] =	sst s10  }
0x35: {  	s10 =	sld [smem:$0x3FA3];
	_ =	sdelay $0x3  }
0x36: {  	p1 =	seq.s32 s10, $0x1;
	s10 =	sld [smem:$0x3FA4];
	_ =	sdelay $0x3  }
0x37: {  	[smem:$0x3FA4] =	sst s10  }
0x38: {  	s10 =	sld [smem:$0x3FA5]  }
0x39: {  	_ = 	snop;
	(pc) =	sbr.ind lr, $3  }
0x3a: {  	_ = 	snop  }
0x3b: {  	_ = 	snop  }
0x3c: {  	p2 =	seq.s32 s10, $0x1;
	s10 =	sld [smem:$0x3FA4]  }
0x3d: {  	_ =	shalt  }
0x3e: {  	_ =	shalt  }
0x3f: {  	_ =	shalt  }
0x40: {  	_ =	shalt  }
0x41: {  	_ =	shalt  }
0x42: {  	_ =	shalt  }
0x43: {  	_ =	shalt  }
0x44: {  	_ =	shalt  }
0x45: {  	_ =	shalt  }
0x46: {  	_ =	shalt  }
0x47: {  	_ =	shalt  }
0x48: {  	_ =	shalt  }
0x49: {  	_ =	shalt  }
0x4a: {  	_ =	shalt  }
0x4b: {  	_ =	shalt  }
0x4c: {  	_ =	shalt  }
0x4d: {  	_ =	shalt  }
0x4e: {  	_ =	shalt  }
0x4f: {  	_ =	shalt  }
0x50: {  	_ =	shalt  }
0x51: {  	_ =	shalt  }
0x52: {  	_ =	shalt  }
0x53: {  	_ =	shalt  }
0x54: {  	_ =	shalt  }
0x55: {  	_ =	shalt  }
0x56: {  	_ =	shalt  }
0x57: {  	_ =	shalt  }
0x58: {  	_ =	shalt  }
0x59: {  	_ =	shalt  }
0x5a: {  	_ =	shalt  }
0x5b: {  	_ =	shalt  }
0x5c: {  	_ =	shalt  }
0x5d: {  	_ =	shalt  }
0x5e: {  	_ =	shalt  }
0x5f: {  	_ =	shalt  }
0x60: {  	_ =	shalt  }
0x61: {  	_ =	shalt  }
0x62: {  	_ =	shalt  }
0x63: {  	_ =	shalt  }
0x64: {  	_ =	shalt  }
0x65: {  	_ =	shalt  }
0x66: {  	_ =	shalt  }
0x67: {  	_ =	shalt  }
0x68: {  	_ =	shalt  }
0x69: {  	_ =	shalt  }
0x6a: {  	_ =	shalt  }
0x6b: {  	_ =	shalt  }
0x6c: {  	_ =	shalt  }
0x6d: {  	_ =	shalt  }
0x6e: {  	_ =	shalt  }
0x6f: {  	_ =	shalt  }
0x70: {  	_ =	shalt  }
0x71: {  	_ =	shalt  }
0x72: {  	_ =	shalt  }
0x73: {  	_ =	shalt  }
0x74: {  	_ =	shalt  }
0x75: {  	_ =	shalt  }
0x76: {  	_ =	shalt  }
0x77: {  	_ =	shalt  }
0x78: {  	_ =	shalt  }
0x79: {  	_ =	shalt  }
0x7a: {  	_ =	shalt  }
0x7b: {  	_ =	shalt  }
0x7c: {  	_ =	shalt  }
0x7d: {  	_ =	shalt  }
0x7e: {  	_ =	shalt  }
0x7f: {  	_ =	shalt  }
0x80: {  	_ =	shalt  }
0x81: {  	_ =	shalt  }
0x82: {  	_ =	shalt  }
0x83: {  	_ =	shalt  }
0x84: {  	_ =	shalt  }
0x85: {  	_ =	shalt  }
0x86: {  	_ =	shalt  }
0x87: {  	_ =	shalt  }
.Lfunc_end0:
.L_simem_size_0:
called_computation.1_lowered:
.L_overlay_start_0:
0x88: {  	s2 =	sld [smem:$0x3FD9]  }
0x89: {  	s3 =	sld [smem:$0x3FFE];
	_ =	sdelay $0x1  }
0x8a: {  	s1 =	srdreg.scid  }
0x8b: {  	s0 =	sand.u32 $0x1, s1  }
0x8c: {  	s16 =	sshll.u32 s0, $0xA;
	s2 =	sadd.s32 s3, s2  }
0x8d: {  	s2 =	sadd.s32 s2, s16  }
0x8e: {  	[smem:$0x3FB0] =	sst s2  }
0x8f: {  	_ = 	snop  }
0x90: {  	(tm) =	ssettm $0x1  }
0x91: {  	s17 =	sld [smem:$0x3FFB];
	_ =	sdelay $0x3  }
0x92: {  	_ =	strace s17  }
0x93: {  	s2 =	sld [smem:$0x3FFC];
	_ =	sdelay $0x3  }
0x94: {  	_ =	strace s2  }
0x95: {  	s2 =	sld [smem:$0x3FFD];
	_ =	sdelay $0x3  }
0x96: {  	_ =	strace s2  }
0x97: {  	_ =	strace $0x8FFFFFFF  }
0x98: {  	s18 =	sld [smem:$0x3FDB];
	_ =	sdelay $0x1  }
0x99: {  	s19 =	simm.s32 $_scs_section_size  }
0x9a: {  	s4 =	simm.s32 $_size__tile_overlayer_lowered;
	s5 =	simm.s32 $_tile_overlayer_lowered  }
0x9b: {  	s22 =	simm.s32 $0x1BFF;
	s21 =	sshll.u32 s5, $0x1;
	s2 =	sadd.s32 s19, s18  }
0x9c: {  	s6 =	simm.s32 $0x0;
	s20 =	sshll.u32 s4, $0x1;
	s4 =	sadd.s32 s21, s2  }
0x9d: {  	[timem:s6], [sflag:s22] =	dma.local [hbm:s4], s20  }
0x9e: {  	_ =	swait.ge [sflag:s22], s20  }
0x9f: {  	s3 =	ssub.s32 $0x0, s20;
	[sflag:s22] =	ssyncset.done $0x0  }
0xa0: {  	[sflag:s22] =	ssyncadd.s32 s3;
	_ =	sdelay $0x1  }
0xa1: {  	s23 =	simm.s32 $0x1B8B  }
0xa2: {  	_ =	swait.ge [sflag:s23], $0x1  }
0xa3: {  	[sflag:s23] =	ssyncset.done $0x0  }
0xa4: {  	s25 =	simm.s32 $0x1B8E;
	s24 =	sld [smem:$0x3FFE];
	[sflag:s23] =	ssyncadd.s32 $0xFFFFFFFF  }
0xa5: {  	s26 =	simm.s32 $execute0_lowered;
	[smem:$0x3FD2] =	sst s25  }
0xa6: {  	s4 =	sshll.u32 s26, $0x1;
	_ =	strace $0x80000049;
	[dreg:$0x1] =	wrdreg $0xFFFFFFFF  }
0xa7: {  	s28 =	simm.s32 $_size_execute0_lowered;
	s2 =	sadd.s32 s2, s4;
	[dreg:$0x0] =	wrdreg $0x0  }
0xa8: {  	s4 =	sshll.u32 s28, $0x1;
	[dreg:$0x2] =	wrdreg s2  }
0xa9: {  	[dreg:$0x3] =	wrdreg s4  }
0xaa: {  	[dreg:$0x4] =	wrdreg $0xC0  }
0xab: {  	_ =	task [dreg:s6], $0x5FFFF  }
0xac: {  	[dreg:$0x1] =	wrdreg $0xFFFFFFFF  }
0xad: {  	[dreg:$0x0] =	wrdreg $0x60  }
0xae: {  	[dreg:$0x2] =	wrdreg s24  }
0xaf: {  	[dreg:$0x3] =	wrdreg $0x9  }
0xb0: {  	_ =	task.clear_ibuf [dreg:s6], $0x4FFFF;
	_ =	strace $0x90000049  }
0xb1: {  	s29 =	simm.s32 $0x9;
	_ =	strace $0x8000004B  }
0xb2: {  	_ =	swait.ge [sflag:s29], $0x1  }
0xb3: {  	[sflag:s29] =	ssyncadd.s32 $0xFFFFFFFF  }
0xb4: {  	_ =	strace $0x9000004B  }
0xb5: {  	_ =	sfence  }
0xb6: {  	s30 =	sld [smem:$0x0];
	_ =	sdelay $0x2  }
0xb7: {  	s31 =	sshll.u32 s1, $0xD;
	s1 =	sshrl.u32 s1, $0x2  }
0xb8: {  	s3 =	sand.u32 $0x4000, s31;
	s1 =	sadd.s32 s1, s30  }
0xb9: {  	s0 =	sor.u32 s3, s0;
	s1 =	sshll.u32 s1, $0x11  }
0xba: {  	s0 =	sor.u32 s1, s0  }
0xbb: {  	s0 =	sadd.s32 $0x8F2B, s0  }
0xbc: {  	[sflag:s0] =	ssyncadd.remote.s32 $0x1  }
0xbd: {  	_ =	sfence.sel $0xFFFF  }
0xbe: {  	[dreg:$0x0] =	wrdreg $0xFFFFFFFF;
	(pc) =	sbr.abs _section_cstart, $3  }
0xbf: {  	[dreg:$0x1] =	wrdreg $0xFFFFFFFF  }
0xc0: {  	_ =	task.clear_ibuf [dreg:s6], $0x2FFFF;
	_ =	strace $0x9FFFFFFF  }
0xc1: {  	(tm) =	ssettm $0x7FFFFFFF  }
tec
execute0_lowered:
.L_overlay_start_1:
0x0: {  	(tag) =	ssettag $0x1  }
0x1: {  	s4 =	rddreg [dreg:$0x0]  }
0x2: {  	s0 =	rddreg [dreg:$0x1]  }
0x3: {  	s3 =	srdreg.scid;
	s1 =	stileid.u32;
	s2 =	simm.s32 $0x0  }
0x4: {  	s10 =	simm.s32 $0x1;
	s11 =	simm.s32 $0x0;
	s6 =	smul.u32 $0x3D40, s1  }
0x5: {  	s5 =	sand.u32 $0x1, s3;
	[smem:$0x7FF] =	sst s2;
	s8 =	smul.u32 $0x3D400, s1  }
0x6: {  	s3 =	sadd.s32 $0xD1000, s4;
	s7 =	smul.u32 $0x1EA0, s5;
	s9 =	ssub.s32 $0x2, s5  }
0x7: {  	_ =	strace $0x8000004A;
	s5 =	smul.u32 $0x1EA00, s5;
	s31 =	sshrl.u32 s9, $0x1  }
0x8: {  	s30 =	sadd.s32 s8, s4;
	s6 =	sadd.s32 s7, s6;
	s8 =	ssub.s32 s9, s31  }
0x9: {  	s5 =	sadd.s32 s5, s30;
	s7 =	simm.s32 $0x2;
	s6 =	sshrl.u32 s6, $0x3  }
0xa: {  	s9 =	simm.s32 $0x180;
	s5 =	sadd.s32 $0x1F7000, s5;
	s6 =	sadd.s32 s6, s4  }
0xb: {  	s4 =	smax.u32 s8, $0x1;
	s8 =	simm.s32 $0x118;
	s6 =	sadd.s32 $0xC9400, s6  }
.LBB2_1:
0xc: {  	s12 =	sadd.s32 $0x0, s6  }
0xd: {  	[tilespmem:s2], [sflag:$0x2] =	stream.linear.gather [hbm4b:s12+s2], $0x118, $0x38;
	[tilespmem:$0x8D80] =	vst v63  }
0xe: {  	_ =	swait.ge [sflag:s7], $0x118  }
0xf: {  	[sflag:s7] =	ssyncset.done $0x0  }
0x10: {  	[sflag:s7] =	ssyncadd.s32 $0xFFFFFEE8  }
0x11: {  	[tilespmem:s9], [sflag:$0x1] =	stream.indirect.gather [hbm4b:s3+s8], $0x80, s2, s8, $0xb8;
	[tilespmem:$0x8D80] =	vst v63  }
0x12: {  	_ =	swait.ge [sflag:s10], $0x8C00  }
0x13: {  	[sflag:s10] =	ssyncset.done $0x0  }
0x14: {  	[sflag:s10] =	ssyncadd.s32 $0xFFFF7400  }
0x15: {  	[hbm4b:s5+s2] =	stream.linear.scatter [tilespmem:s9], [sflag:$0x2], $0x8C00, $0x38;
	[tilespmem:$0x8D80] =	vst v63  }
0x16: {  	s13 =	simm.s32 $0x23;
	_ =	swait.ge [sflag:s7], $0x8C00  }
0x17: {  	s14 =	simm.s32 $0x46;
	s12 =	sadd.s32 $0x1180, s5;
	[sflag:s7] =	ssyncset.done $0x0  }
.LBB2_2:
0x18: {  	s15 =	sadd.s32 s13, s6  }
0x19: {  	[sflag:s7] =	ssyncadd.s32 $0xFFFF7400;
	s13 =	smov.u32 s14;
	s16 =	sadd.s32 $0x23, s14  }
0x1a: {  	[tilespmem:s2], [sflag:$0x2] =	stream.linear.gather [hbm4b:s15+s2], $0x118, $0x38;
	[tilespmem:$0x8D80] =	vst v63  }
0x1b: {  	p0 =	sne.s32 s14, $0x3B1;
	_ =	swait.ge [sflag:s7], $0x118  }
0x1c: {  	[sflag:s7] =	ssyncset.done $0x0  }
0x1d: {  	[sflag:s7] =	ssyncadd.s32 $0xFFFFFEE8  }
0x1e: {  	[tilespmem:s9], [sflag:$0x1] =	stream.indirect.gather [hbm4b:s3+s8], $0x80, s2, s8, $0xb8;
	[tilespmem:$0x8D80] =	vst v63  }
0x1f: {  	_ =	swait.ge [sflag:s10], $0x8C00  }
.Ltmp0:
0x20: {  	[sflag:s10] =	ssyncset.done $0x0;
	(pc) =	sbr.rel @p0 .LBB2_2-.Ltmp0, $4  }
0x21: {  	[sflag:s10] =	ssyncadd.s32 $0xFFFF7400  }
0x22: {  	[hbm4b:s12+s2] =	stream.linear.scatter [tilespmem:s9], [sflag:$0x2], $0x8C00, $0x38;
	[tilespmem:$0x8D80] =	vst v63  }
0x23: {  	_ =	swait.ge [sflag:s7], $0x8C00  }
0x24: {  	s14 =	smov.u32 s16;
	s12 =	sadd.s32 $0x1180, s12;
	[sflag:s7] =	ssyncset.done $0x0  }
0x25: {  	s13 =	sadd.s32 s13, s6;
	[sflag:s7] =	ssyncadd.s32 $0xFFFF7400  }
0x26: {  	[tilespmem:s2], [sflag:$0x2] =	stream.linear.gather [hbm4b:s13+s2], $0x118, $0x38;
	[tilespmem:$0x8D80] =	vst v63  }
0x27: {  	_ =	swait.ge [sflag:s7], $0x118  }
0x28: {  	[sflag:s7] =	ssyncset.done $0x0  }
0x29: {  	[sflag:s7] =	ssyncadd.s32 $0xFFFFFEE8  }
0x2a: {  	[tilespmem:s9], [sflag:$0x1] =	stream.indirect.gather [hbm4b:s3+s8], $0x80, s2, s8, $0xb8;
	[tilespmem:$0x8D80] =	vst v63  }
0x2b: {  	s11 =	sadd.s32 $0x1, s11;
	_ =	swait.ge [sflag:s10], $0x8C00  }
0x2c: {  	p0 =	sne.s32 s11, s4;
	[sflag:s10] =	ssyncset.done $0x0  }
.Ltmp1:
0x2d: {  	[sflag:s10] =	ssyncadd.s32 $0xFFFF7400;
	(pc) =	sbr.rel @p0 .LBB2_1-.Ltmp1, $4  }
0x2e: {  	[hbm4b:s12+s2] =	stream.linear.scatter [tilespmem:s9], [sflag:$0x2], $0x8C00, $0x38;
	[tilespmem:$0x8D80] =	vst v63  }
0x2f: {  	_ =	swait.ge [sflag:s7], $0x8C00  }
0x30: {  	[sflag:s7] =	ssyncset.done $0x0  }
0x31: {  	[sflag:s7] =	ssyncadd.s32 $0xFFFF7400  }
0x32: {  	_ =	sfence.sel $0x180000  }
0x33: {  	[bflag:$0x0] =	sbarrier.arrive $0xFFFF  }
0x34: {  	p0 =	sne.s32 s1, $0x0;
	_ =	strace $0x9000004A  }
0x35: {  	s0 =	sadd.s32 @!p0 $0x100000, s0;
	[bflag:$0x2] =	sbarrier.arrive $0xFFFF  }
0x36: {  	[sflag:s0] =	ssyncadd.tile.s32 @!p0 $0x1;
	_ =	shalt  }
.Lfunc_end2:
_tile_overlayer_lowered:
.L_overlay_start_2:
0x37: {  	(tag) =	ssettag $0x2  }
0x38: {  	s0 =	rddreg [dreg:$0x0];
	s2 =	stileid.u32  }
0x39: {  	s1 =	rddreg [dreg:$0x1];
	p0 =	sne.s32 s2, $0x0  }
0x3a: {  	s3 =	rddreg [dreg:$0x2];
	[bflag:$0x3] =	sbarrier.arrive $0xFFFF;
	s2 =	simm.s32 @!p0 $0x1C02  }
0x3b: {  	[timem:s3], [sflag:s2] =	dma.local @!p0 [hbm:s0], s1  }
0x3c: {  	s0 =	simm.s32 @!p0 $0x2  }
0x3d: {  	_ =	swait.ge @!p0 [sflag:s0], s1  }
0x3e: {  	s1 =	ssub.s32 @!p0 $0x0, s1;
	[sflag:s0] =	ssyncset.done @!p0 $0x0  }
0x3f: {  	[sflag:s0] =	ssyncadd.s32 @!p0 s1  }
0x40: {  	[bflag:$0x3] =	sbarrier.arrive $0xFFFF  }
0x41: {  	_ =	shalt  }

// kernel: kernel.17.cloned.1.call-start
scs
__scs_entry_jumppad:
0x0: {  	(pc) =	sbr.rel $0x88, $3  }
0x1: {  	(tag) =	ssettag $0x0;
	lr =	simm.s32 $0x1  }
0x2: {  	[smem:$0x3F89] =	sst lr;
	_ =	strace $0xD0000000  }
0x3: {  	_ = 	snop  }
0x4: {  	_ = 	snop  }
0x5: {  	_ = 	snop  }
0x6: {  	_ = 	snop  }
0x7: {  	_ = 	snop  }
__scs_overlays_trampoline_lowered:
0x8: {  	[smem:$0x3F98] =	sst s0  }
0x9: {  	[smem:$0x3F99] =	sst s1  }
0xa: {  	[smem:$0x3F9A] =	sst s2  }
0xb: {  	[smem:$0x3F9B] =	sst s3  }
0xc: {  	[smem:$0x3F9C] =	sst s4  }
0xd: {  	[smem:$0x3F9D] =	sst s5  }
0xe: {  	[smem:$0x3F9E] =	sst s6  }
0xf: {  	[smem:$0x3F9F] =	sst s7  }
0x10: {  	[smem:$0x3FA0] =	sst s8  }
0x11: {  	[smem:$0x3FA1] =	sst s9;
	s0 =	simm.s32 @!p0 $0x0  }
0x12: {  	s1 =	sld [smem:$0x3F87];
	s0 =	simm.s32 @p0 $0x1  }
0x13: {  	[smem:$0x3FA2] =	sst s0;
	s0 =	simm.s32 @!p1 $0x0  }
0x14: {  	s2 =	sld [smem:$0x3F86];
	s0 =	simm.s32 @p1 $0x1  }
0x15: {  	[smem:$0x3FA3] =	sst s0;
	s0 =	simm.s32 @!p2 $0x0  }
0x16: {  	s3 =	sld [smem:$0x3FDB];
	s0 =	simm.s32 @p2 $0x1  }
0x17: {  	s4 =	simm.s32 $0x1BF5;
	[smem:$0x3FA5] =	sst s0  }
0x18: {  	s0 =	sld [smem:$0x3F88];
	_ =	swait.ge [sflag:s4], $0x0  }
0x19: {  	s7 =	sld [smem:$0x3F89]  }
0x1a: {  	s8 =	sadd.s32 $0xFFFFE003, lr  }
0x1b: {  	s9 =	sadd.s32 $0xFFFFFEF7, lr;
	s5 =	simm.s32 $0xFFFFFFFF;
	p2 =	slt.u32 s8, $0xFFFFF086  }
0x1c: {  	p1 =	slt.u32 s9, $0xF7A;
	s5 =	simm.s32 @!p2 $0x0  }
0x1d: {  	s5 =	simm.s32 @p1 $0x1;
	p0 =	seq.s32 s7, s2  }
0x1e: {  	s7 =	smul.u32 @!p0 $0xF7A, s2;
	p2 =	seq.s32 @!p0 s5, $0x0  }
0x1f: {  	s9 =	smul.u32 $0xF7A, s1;
	s8 =	simm.s32 @!p0 $0x1BF5;
	p2 =	por !p2, p0  }
0x20: {  	[sflag:s8] =	ssyncset.s32 @!p0 $0xFFFFF086;
	s6 =	sadd.s32 @!p0 s3, s7;
	s7 =	simm.s32 @!p0 $0x108  }
0x21: {  	s3 =	sadd.s32 s3, s9;
	s6 =	sadd.s32 @!p0 $0x88, s6;
	s7 =	simm.s32 @p2 $0x1082  }
0x22: {  	[simem:s7], [sflag:s8] =	dma.local @!p0 [hbm:s6], $0xF7A  }
0x23: {  	s9 =	sor.u32 $0xD0000000, s2;
	s6 =	simm.s32 $0x108;
	_ =	swait.ge @!p0 [sflag:s8], $0x0  }
0x24: {  	s3 =	sadd.s32 $0x88, s3;
	s6 =	simm.s32 @!p1 $0x1082;
	[sflag:s4] =	ssyncset.s32 $0xFFFFF086  }
0x25: {  	[simem:s6], [sflag:s4] =	dma.local [hbm:s3], $0xF7A  }
0x26: {  	[smem:$0x3F89] =	sst s1;
	(tag) =	ssettag s2;
	_ =	strace s9  }
0x27: {  	s1 =	sld [smem:$0x3F99]  }
0x28: {  	s2 =	sld [smem:$0x3F9A]  }
0x29: {  	s4 =	sld [smem:$0x3F9C]  }
0x2a: {  	p0 =	seq.s32 s5, $0x0;
	s5 =	sld [smem:$0x3F9D]  }
0x2b: {  	s6 =	sld [smem:$0x3F9E]  }
0x2c: {  	s7 =	sld [smem:$0x3F9F]  }
0x2d: {  	s3 =	simm.s32 $0x108;
	s8 =	sld [smem:$0x3FA0]  }
0x2e: {  	s3 =	simm.s32 @!p0 $0x1082;
	s9 =	sld [smem:$0x3FA1]  }
0x2f: {  	lr =	sadd.s32 s0, s3;
	s0 =	sld [smem:$0x3F98]  }
0x30: {  	s3 =	sld [smem:$0x3F9B]  }
0x31: {  	[smem:$0x3FA4] =	sst s10  }
0x32: {  	s10 =	sld [smem:$0x3FA2];
	_ =	sdelay $0x3  }
0x33: {  	p0 =	seq.s32 s10, $0x1;
	s10 =	sld [smem:$0x3FA4];
	_ =	sdelay $0x3  }
0x34: {  	[smem:$0x3FA4] =	sst s10  }
0x35: {  	s10 =	sld [smem:$0x3FA3];
	_ =	sdelay $0x3  }
0x36: {  	p1 =	seq.s32 s10, $0x1;
	s10 =	sld [smem:$0x3FA4];
	_ =	sdelay $0x3  }
0x37: {  	[smem:$0x3FA4] =	sst s10  }
0x38: {  	s10 =	sld [smem:$0x3FA5]  }
0x39: {  	_ = 	snop;
	(pc) =	sbr.ind lr, $3  }
0x3a: {  	_ = 	snop  }
0x3b: {  	_ = 	snop  }
0x3c: {  	p2 =	seq.s32 s10, $0x1;
	s10 =	sld [smem:$0x3FA4]  }
0x3d: {  	_ =	shalt  }
0x3e: {  	_ =	shalt  }
0x3f: {  	_ =	shalt  }
0x40: {  	_ =	shalt  }
0x41: {  	_ =	shalt  }
0x42: {  	_ =	shalt  }
0x43: {  	_ =	shalt  }
0x44: {  	_ =	shalt  }
0x45: {  	_ =	shalt  }
0x46: {  	_ =	shalt  }
0x47: {  	_ =	shalt  }
0x48: {  	_ =	shalt  }
0x49: {  	_ =	shalt  }
0x4a: {  	_ =	shalt  }
0x4b: {  	_ =	shalt  }
0x4c: {  	_ =	shalt  }
0x4d: {  	_ =	shalt  }
0x4e: {  	_ =	shalt  }
0x4f: {  	_ =	shalt  }
0x50: {  	_ =	shalt  }
0x51: {  	_ =	shalt  }
0x52: {  	_ =	shalt  }
0x53: {  	_ =	shalt  }
0x54: {  	_ =	shalt  }
0x55: {  	_ =	shalt  }
0x56: {  	_ =	shalt  }
0x57: {  	_ =	shalt  }
0x58: {  	_ =	shalt  }
0x59: {  	_ =	shalt  }
0x5a: {  	_ =	shalt  }
0x5b: {  	_ =	shalt  }
0x5c: {  	_ =	shalt  }
0x5d: {  	_ =	shalt  }
0x5e: {  	_ =	shalt  }
0x5f: {  	_ =	shalt  }
0x60: {  	_ =	shalt  }
0x61: {  	_ =	shalt  }
0x62: {  	_ =	shalt  }
0x63: {  	_ =	shalt  }
0x64: {  	_ =	shalt  }
0x65: {  	_ =	shalt  }
0x66: {  	_ =	shalt  }
0x67: {  	_ =	shalt  }
0x68: {  	_ =	shalt  }
0x69: {  	_ =	shalt  }
0x6a: {  	_ =	shalt  }
0x6b: {  	_ =	shalt  }
0x6c: {  	_ =	shalt  }
0x6d: {  	_ =	shalt  }
0x6e: {  	_ =	shalt  }
0x6f: {  	_ =	shalt  }
0x70: {  	_ =	shalt  }
0x71: {  	_ =	shalt  }
0x72: {  	_ =	shalt  }
0x73: {  	_ =	shalt  }
0x74: {  	_ =	shalt  }
0x75: {  	_ =	shalt  }
0x76: {  	_ =	shalt  }
0x77: {  	_ =	shalt  }
0x78: {  	_ =	shalt  }
0x79: {  	_ =	shalt  }
0x7a: {  	_ =	shalt  }
0x7b: {  	_ =	shalt  }
0x7c: {  	_ =	shalt  }
0x7d: {  	_ =	shalt  }
0x7e: {  	_ =	shalt  }
0x7f: {  	_ =	shalt  }
0x80: {  	_ =	shalt  }
0x81: {  	_ =	shalt  }
0x82: {  	_ =	shalt  }
0x83: {  	_ =	shalt  }
0x84: {  	_ =	shalt  }
0x85: {  	_ =	shalt  }
0x86: {  	_ =	shalt  }
0x87: {  	_ =	shalt  }
.Lfunc_end0:
.L_simem_size_0:
called_computation.2_lowered:
.L_overlay_start_0:
0x88: {  	s2 =	sld [smem:$0x3FD9]  }
0x89: {  	s3 =	sld [smem:$0x3FFE];
	_ =	sdelay $0x1  }
0x8a: {  	s1 =	srdreg.scid  }
0x8b: {  	s0 =	sand.u32 $0x1, s1  }
0x8c: {  	s16 =	sshll.u32 s0, $0xA;
	s2 =	sadd.s32 s3, s2  }
0x8d: {  	s2 =	sadd.s32 s2, s16  }
0x8e: {  	[smem:$0x3FB0] =	sst s2  }
0x8f: {  	_ = 	snop  }
0x90: {  	(tm) =	ssettm $0x1  }
0x91: {  	s17 =	sld [smem:$0x3FFB];
	_ =	sdelay $0x3  }
0x92: {  	_ =	strace s17  }
0x93: {  	s2 =	sld [smem:$0x3FFC];
	_ =	sdelay $0x3  }
0x94: {  	_ =	strace s2  }
0x95: {  	s2 =	sld [smem:$0x3FFD];
	_ =	sdelay $0x3  }
0x96: {  	_ =	strace s2  }
0x97: {  	_ =	strace $0x8FFFFFFF  }
0x98: {  	s18 =	sld [smem:$0x3FDB];
	_ =	sdelay $0x1  }
0x99: {  	s19 =	simm.s32 $_scs_section_size  }
0x9a: {  	s4 =	simm.s32 $_size__tile_overlayer_lowered;
	s5 =	simm.s32 $_tile_overlayer_lowered  }
0x9b: {  	s22 =	simm.s32 $0x1BFF;
	s21 =	sshll.u32 s5, $0x1;
	s2 =	sadd.s32 s19, s18  }
0x9c: {  	s6 =	simm.s32 $0x0;
	s20 =	sshll.u32 s4, $0x1;
	s4 =	sadd.s32 s21, s2  }
0x9d: {  	[timem:s6], [sflag:s22] =	dma.local [hbm:s4], s20  }
0x9e: {  	_ =	swait.ge [sflag:s22], s20  }
0x9f: {  	s3 =	ssub.s32 $0x0, s20;
	[sflag:s22] =	ssyncset.done $0x0  }
0xa0: {  	[sflag:s22] =	ssyncadd.s32 s3;
	_ =	sdelay $0x1  }
0xa1: {  	s23 =	simm.s32 $0x1B8B  }
0xa2: {  	_ =	swait.ge [sflag:s23], $0x1  }
0xa3: {  	[sflag:s23] =	ssyncset.done $0x0  }
0xa4: {  	s25 =	simm.s32 $0x1B8E;
	s24 =	sld [smem:$0x3FFE];
	[sflag:s23] =	ssyncadd.s32 $0xFFFFFFFF  }
0xa5: {  	s26 =	simm.s32 $execute0_lowered;
	[smem:$0x3FD2] =	sst s25  }
0xa6: {  	s4 =	sshll.u32 s26, $0x1;
	_ =	strace $0x8000004C;
	[dreg:$0x1] =	wrdreg $0xFFFFFFFF  }
0xa7: {  	s28 =	simm.s32 $_size_execute0_lowered;
	s2 =	sadd.s32 s2, s4;
	[dreg:$0x0] =	wrdreg $0x0  }
0xa8: {  	s4 =	sshll.u32 s28, $0x1;
	[dreg:$0x2] =	wrdreg s2  }
0xa9: {  	[dreg:$0x3] =	wrdreg s4  }
0xaa: {  	[dreg:$0x4] =	wrdreg $0xC0  }
0xab: {  	_ =	task [dreg:s6], $0x5FFFF  }
0xac: {  	[dreg:$0x1] =	wrdreg $0xFFFFFFFF  }
0xad: {  	[dreg:$0x0] =	wrdreg $0x60  }
0xae: {  	[dreg:$0x2] =	wrdreg s24  }
0xaf: {  	[dreg:$0x3] =	wrdreg $0x9  }
0xb0: {  	_ =	task.clear_ibuf [dreg:s6], $0x4FFFF;
	_ =	strace $0x9000004C  }
0xb1: {  	s29 =	simm.s32 $0x9;
	_ =	strace $0x8000004E  }
0xb2: {  	_ =	swait.ge [sflag:s29], $0x1  }
0xb3: {  	[sflag:s29] =	ssyncadd.s32 $0xFFFFFFFF  }
0xb4: {  	_ =	strace $0x9000004E  }
0xb5: {  	_ =	sfence  }
0xb6: {  	s30 =	sld [smem:$0x0];
	_ =	sdelay $0x2  }
0xb7: {  	s31 =	sshll.u32 s1, $0xD;
	s1 =	sshrl.u32 s1, $0x2  }
0xb8: {  	s3 =	sand.u32 $0x4000, s31;
	s1 =	sadd.s32 s1, s30  }
0xb9: {  	s0 =	sor.u32 s3, s0;
	s1 =	sshll.u32 s1, $0x11  }
0xba: {  	s0 =	sor.u32 s1, s0  }
0xbb: {  	s0 =	sadd.s32 $0x8F2B, s0  }
0xbc: {  	[sflag:s0] =	ssyncadd.remote.s32 $0x1  }
0xbd: {  	_ =	sfence.sel $0xFFFF  }
0xbe: {  	[dreg:$0x0] =	wrdreg $0xFFFFFFFF;
	(pc) =	sbr.abs _section_cstart, $3  }
0xbf: {  	[dreg:$0x1] =	wrdreg $0xFFFFFFFF  }
0xc0: {  	_ =	task.clear_ibuf [dreg:s6], $0x2FFFF;
	_ =	strace $0x9FFFFFFF  }
0xc1: {  	(tm) =	ssettm $0x7FFFFFFF  }
tec
execute0_lowered:
.L_overlay_start_1:
0x0: {  	(tag) =	ssettag $0x1  }
0x1: {  	s4 =	rddreg [dreg:$0x0]  }
0x2: {  	s0 =	rddreg [dreg:$0x1]  }
0x3: {  	s3 =	srdreg.scid;
	s1 =	stileid.u32;
	s2 =	simm.s32 $0x0  }
0x4: {  	s10 =	simm.s32 $0x1;
	s11 =	simm.s32 $0x0;
	s6 =	smul.u32 $0x3D40, s1  }
0x5: {  	s5 =	sand.u32 $0x1, s3;
	[smem:$0x7FF] =	sst s2;
	s8 =	smul.u32 $0x3D400, s1  }
0x6: {  	s3 =	sadd.s32 $0xD1000, s4;
	s7 =	smul.u32 $0x1EA0, s5;
	s9 =	ssub.s32 $0x2, s5  }
0x7: {  	_ =	strace $0x8000004D;
	s5 =	smul.u32 $0x1EA00, s5;
	s31 =	sshrl.u32 s9, $0x1  }
0x8: {  	s30 =	sadd.s32 s8, s4;
	s6 =	sadd.s32 s7, s6;
	s8 =	ssub.s32 s9, s31  }
0x9: {  	s5 =	sadd.s32 s5, s30;
	s7 =	simm.s32 $0x2;
	s6 =	sshrl.u32 s6, $0x3  }
0xa: {  	s9 =	simm.s32 $0x180;
	s5 =	sadd.s32 $0x1F7000, s5;
	s6 =	sadd.s32 s6, s4  }
0xb: {  	s4 =	smax.u32 s8, $0x1;
	s8 =	simm.s32 $0x118;
	s6 =	sadd.s32 $0xC9400, s6  }
.LBB2_1:
0xc: {  	s12 =	sadd.s32 $0x0, s6  }
0xd: {  	[tilespmem:s2], [sflag:$0x2] =	stream.linear.gather [hbm4b:s12+s2], $0x118, $0x38;
	[tilespmem:$0x8D80] =	vst v63  }
0xe: {  	_ =	swait.ge [sflag:s7], $0x118  }
0xf: {  	[sflag:s7] =	ssyncset.done $0x0  }
0x10: {  	[sflag:s7] =	ssyncadd.s32 $0xFFFFFEE8  }
0x11: {  	[tilespmem:s9], [sflag:$0x1] =	stream.indirect.gather [hbm4b:s3+s8], $0x80, s2, s8, $0xb8;
	[tilespmem:$0x8D80] =	vst v63  }
0x12: {  	_ =	swait.ge [sflag:s10], $0x8C00  }
0x13: {  	[sflag:s10] =	ssyncset.done $0x0  }
0x14: {  	[sflag:s10] =	ssyncadd.s32 $0xFFFF7400  }
0x15: {  	[hbm4b:s5+s2] =	stream.linear.scatter [tilespmem:s9], [sflag:$0x2], $0x8C00, $0x38;
	[tilespmem:$0x8D80] =	vst v63  }
0x16: {  	s13 =	simm.s32 $0x23;
	_ =	swait.ge [sflag:s7], $0x8C00  }
0x17: {  	s14 =	simm.s32 $0x46;
	s12 =	sadd.s32 $0x1180, s5;
	[sflag:s7] =	ssyncset.done $0x0  }
.LBB2_2:
0x18: {  	s15 =	sadd.s32 s13, s6  }
0x19: {  	[sflag:s7] =	ssyncadd.s32 $0xFFFF7400;
	s13 =	smov.u32 s14;
	s16 =	sadd.s32 $0x23, s14  }
0x1a: {  	[tilespmem:s2], [sflag:$0x2] =	stream.linear.gather [hbm4b:s15+s2], $0x118, $0x38;
	[tilespmem:$0x8D80] =	vst v63  }
0x1b: {  	p0 =	sne.s32 s14, $0x3B1;
	_ =	swait.ge [sflag:s7], $0x118  }
0x1c: {  	[sflag:s7] =	ssyncset.done $0x0  }
0x1d: {  	[sflag:s7] =	ssyncadd.s32 $0xFFFFFEE8  }
0x1e: {  	[tilespmem:s9], [sflag:$0x1] =	stream.indirect.gather [hbm4b:s3+s8], $0x80, s2, s8, $0xb8;
	[tilespmem:$0x8D80] =	vst v63  }
0x1f: {  	_ =	swait.ge [sflag:s10], $0x8C00  }
.Ltmp0:
0x20: {  	[sflag:s10] =	ssyncset.done $0x0;
	(pc) =	sbr.rel @p0 .LBB2_2-.Ltmp0, $4  }
0x21: {  	[sflag:s10] =	ssyncadd.s32 $0xFFFF7400  }
0x22: {  	[hbm4b:s12+s2] =	stream.linear.scatter [tilespmem:s9], [sflag:$0x2], $0x8C00, $0x38;
	[tilespmem:$0x8D80] =	vst v63  }
0x23: {  	_ =	swait.ge [sflag:s7], $0x8C00  }
0x24: {  	s14 =	smov.u32 s16;
	s12 =	sadd.s32 $0x1180, s12;
	[sflag:s7] =	ssyncset.done $0x0  }
0x25: {  	s13 =	sadd.s32 s13, s6;
	[sflag:s7] =	ssyncadd.s32 $0xFFFF7400  }
0x26: {  	[tilespmem:s2], [sflag:$0x2] =	stream.linear.gather [hbm4b:s13+s2], $0x118, $0x38;
	[tilespmem:$0x8D80] =	vst v63  }
0x27: {  	_ =	swait.ge [sflag:s7], $0x118  }
0x28: {  	[sflag:s7] =	ssyncset.done $0x0  }
0x29: {  	[sflag:s7] =	ssyncadd.s32 $0xFFFFFEE8  }
0x2a: {  	[tilespmem:s9], [sflag:$0x1] =	stream.indirect.gather [hbm4b:s3+s8], $0x80, s2, s8, $0xb8;
	[tilespmem:$0x8D80] =	vst v63  }
0x2b: {  	s11 =	sadd.s32 $0x1, s11;
	_ =	swait.ge [sflag:s10], $0x8C00  }
0x2c: {  	p0 =	sne.s32 s11, s4;
	[sflag:s10] =	ssyncset.done $0x0  }
.Ltmp1:
0x2d: {  	[sflag:s10] =	ssyncadd.s32 $0xFFFF7400;
	(pc) =	sbr.rel @p0 .LBB2_1-.Ltmp1, $4  }
0x2e: {  	[hbm4b:s12+s2] =	stream.linear.scatter [tilespmem:s9], [sflag:$0x2], $0x8C00, $0x38;
	[tilespmem:$0x8D80] =	vst v63  }
0x2f: {  	_ =	swait.ge [sflag:s7], $0x8C00  }
0x30: {  	[sflag:s7] =	ssyncset.done $0x0  }
0x31: {  	[sflag:s7] =	ssyncadd.s32 $0xFFFF7400  }
0x32: {  	_ =	sfence.sel $0x180000  }
0x33: {  	[bflag:$0x0] =	sbarrier.arrive $0xFFFF  }
0x34: {  	p0 =	sne.s32 s1, $0x0;
	_ =	strace $0x9000004D  }
0x35: {  	s0 =	sadd.s32 @!p0 $0x100000, s0;
	[bflag:$0x2] =	sbarrier.arrive $0xFFFF  }
0x36: {  	[sflag:s0] =	ssyncadd.tile.s32 @!p0 $0x1;
	_ =	shalt  }
.Lfunc_end2:
_tile_overlayer_lowered:
.L_overlay_start_2:
0x37: {  	(tag) =	ssettag $0x2  }
0x38: {  	s0 =	rddreg [dreg:$0x0];
	s2 =	stileid.u32  }
0x39: {  	s1 =	rddreg [dreg:$0x1];
	p0 =	sne.s32 s2, $0x0  }
0x3a: {  	s3 =	rddreg [dreg:$0x2];
	[bflag:$0x3] =	sbarrier.arrive $0xFFFF;
	s2 =	simm.s32 @!p0 $0x1C02  }
0x3b: {  	[timem:s3], [sflag:s2] =	dma.local @!p0 [hbm:s0], s1  }
0x3c: {  	s0 =	simm.s32 @!p0 $0x2  }
0x3d: {  	_ =	swait.ge @!p0 [sflag:s0], s1  }
0x3e: {  	s1 =	ssub.s32 @!p0 $0x0, s1;
	[sflag:s0] =	ssyncset.done @!p0 $0x0  }
0x3f: {  	[sflag:s0] =	ssyncadd.s32 @!p0 s1  }
0x40: {  	[bflag:$0x3] =	sbarrier.arrive $0xFFFF  }
0x41: {  	_ =	shalt  }

</sc_bundles>
